<compile_context>
chip_gen: v7x
topology: tpu7x:2x2x1
jax: 0.10.2.dev20260603
libtpu: 0.0.44.dev20260713+nightly
codegen_flags: <defaults>
</compile_context>

<pallas_src>
import functools

import jax
import jax.numpy as jnp
from jax import lax
from jax.experimental import pallas as pl
from jax.experimental.pallas import tpu as pltpu
from jax.experimental.pallas import tpu_sc as plsc

N_NODES = 10000
N_EDGES = 160000
D_FEAT = 256
W_FEAT = D_FEAT // 2

_info = plsc.get_sparse_core_info()
NC, NS, L = _info.num_cores, _info.num_subcores, _info.num_lanes
NW = NC * NS

EW = N_EDGES // NW
C = 64
NCH = -(-EW // C)


def _body(hw_hbm, src_hbm, dst_hbm, out_hbm,
          h_sp, idx_u, idx_v, ru0, ru1, rv0, rv1, sc0, sc1,
          gsem0, gsem1, osem0, osem1):
    rows_u = (ru0, ru1)
    rows_v = (rv0, rv1)
    scores = (sc0, sc1)
    gsems = (gsem0, gsem1)
    osems = (osem0, osem1)

    wid = lax.axis_index("s") * NC + lax.axis_index("c")
    base_w = pl.multiple_of(wid * EW, 8)
    lane = jnp.arange(L, dtype=jnp.int32)

    pltpu.sync_copy(src_hbm.at[pl.ds(base_w, EW)], idx_u)
    pltpu.sync_copy(dst_hbm.at[pl.ds(base_w, EW)], idx_v)

    @pl.when(lax.axis_index("s") == 0)
    def _stage():
        pltpu.sync_copy(hw_hbm, h_sp)
    plsc.subcore_barrier()

    def chunk_base(j):
        return pl.multiple_of(
            jnp.minimum(j * C, EW - C).astype(jnp.int32), 8)

    H = C // 2

    def start(j, b):
        cb = chunk_base(j)
        pltpu.make_async_copy(
            h_sp.at[idx_u.at[pl.ds(cb, H)]],
            rows_u[b].at[pl.ds(0, H)], gsems[b]).start()
        pltpu.make_async_copy(
            h_sp.at[idx_u.at[pl.ds(cb + H, H)]],
            rows_u[b].at[pl.ds(H, H)], gsems[b]).start()
        pltpu.make_async_copy(
            h_sp.at[idx_v.at[pl.ds(cb, H)]],
            rows_v[b].at[pl.ds(0, H)], gsems[b]).start()
        pltpu.make_async_copy(
            h_sp.at[idx_v.at[pl.ds(cb + H, H)]],
            rows_v[b].at[pl.ds(H, H)], gsems[b]).start()

    def split(word):
        lo = plsc.bitcast(word << 16, jnp.float32)
        hi = plsc.bitcast(word, jnp.float32)
        return lo, hi

    def finish(j, b):
        pltpu.make_async_copy(
            h_sp.at[idx_u.at[pl.ds(0, C)]], rows_u[b], gsems[b]).wait()
        pltpu.make_async_copy(
            h_sp.at[idx_v.at[pl.ds(0, C)]], rows_v[b], gsems[b]).wait()

        @pl.when(j >= 2)
        def _():
            pltpu.make_async_copy(
                scores[b], out_hbm.at[pl.ds(base_w, C)], osems[b]).wait()

        def group(g, _, _b=b):
            def edge(e, svec, _b=_b):
                z = jnp.zeros((L,), jnp.float32)
                a0 = a1 = a2 = a3 = z
                for w in range(W_FEAT // L):
                    uw = rows_u[_b][e, pl.ds(w * L, L)]
                    vw = rows_v[_b][e, pl.ds(w * L, L)]
                    ulo, uhi = split(uw)
                    vlo, vhi = split(vw)
                    if w % 2 == 0:
                        a0 = a0 + ulo * vlo
                        a1 = a1 + uhi * vhi
                    else:
                        a2 = a2 + ulo * vlo
                        a3 = a3 + uhi * vhi
                s = jnp.sum((a0 + a1) + (a2 + a3))
                return jnp.where(lane == (e & (L - 1)), s, svec)

            base_e = g * L
            svec = lax.fori_loop(
                base_e, base_e + L, edge, jnp.zeros((L,), jnp.float32))
            scores[_b][pl.ds(base_e, L)] = svec
            return _

        lax.fori_loop(0, C // L, group, 0)
        pltpu.make_async_copy(
            scores[b], out_hbm.at[pl.ds(base_w + chunk_base(j), C)],
            osems[b]).start()

    start(0, 0)
    start(1, 1)

    def outer(k, carry):
        for b in (0, 1):
            j = 2 * k + b

            @pl.when(j < NCH)
            def _():
                finish(j, b)

            @pl.when(j + 2 < NCH)
            def _():
                start(j + 2, b)
        return carry

    lax.fori_loop(0, (NCH + 1) // 2, outer, 0)
    for b in (0, 1):
        pltpu.make_async_copy(
            scores[b], out_hbm.at[pl.ds(base_w, C)], osems[b]).wait()


@functools.partial(
    pl.kernel,
    mesh=plsc.VectorSubcoreMesh(core_axis_name="c", subcore_axis_name="s"),
    out_type=jax.ShapeDtypeStruct((N_EDGES,), jnp.float32),
    compiler_params=pltpu.CompilerParams(
        use_tc_tiling_on_sc=False, needs_layout_passes=False),
    scratch_types=[
        pltpu.VMEM_SHARED((N_NODES, W_FEAT), jnp.int32),
        pltpu.VMEM((EW,), jnp.int32),
        pltpu.VMEM((EW,), jnp.int32),
        pltpu.VMEM((C, W_FEAT), jnp.int32),
        pltpu.VMEM((C, W_FEAT), jnp.int32),
        pltpu.VMEM((C, W_FEAT), jnp.int32),
        pltpu.VMEM((C, W_FEAT), jnp.int32),
        pltpu.VMEM((C,), jnp.float32),
        pltpu.VMEM((C,), jnp.float32),
        pltpu.SemaphoreType.DMA,
        pltpu.SemaphoreType.DMA,
        pltpu.SemaphoreType.DMA,
        pltpu.SemaphoreType.DMA,
    ],
)
def _sc_dot(hw_hbm, src_hbm, dst_hbm, out_hbm, *scratch):
    _body(hw_hbm, src_hbm, dst_hbm, out_hbm, *scratch)


def kernel(h, edge_index):
    hw = lax.bitcast_convert_type(
        h.astype(jnp.bfloat16).reshape(N_NODES, W_FEAT, 2), jnp.int32)
    return _sc_dot(hw, edge_index[0], edge_index[1])

# --- scband reference (transcript-rebuilt; emitter-appended) ---
"""Pipeline reference for scband-dot-predictor-77653008712202 (READ-ONLY COPY).

The authoritative reference and input builder live on the scoring server;
editing this copy changes nothing except your own understanding.
"""

import jax, jax.numpy as jnp
import numpy as np

N_NODES = 10000
N_EDGES = 160000
D_FEAT = 256

def setup_inputs(seed: int = 0) -> dict:
    key = jax.random.key(seed)
    k1, k2 = jax.random.split(key)
    h = jax.random.normal(k1, (N_NODES, D_FEAT), dtype=jnp.float32)
    edge_index = jax.random.randint(k2, (2, N_EDGES), 0, N_NODES, dtype=jnp.int32)
    return {"h": h, "edge_index": edge_index}

def reference(h, edge_index):
    # DGL DotPredictor: for each edge (u, v), score = dot(h[u], h[v])
    # g.apply_edges(fn.u_dot_v('h', 'h', 'score')) -> edata['score'][:, 0]
    src = edge_index[0]
    dst = edge_index[1]
    h_u = jnp.take(h, src, axis=0)  # [E, d] gather
    h_v = jnp.take(h, dst, axis=0)  # [E, d] gather
    score = jnp.sum(h_u * h_v, axis=-1)  # [E]
    return score

if __name__ == "__main__":
    import jax
    _d = setup_inputs()
    print(jax.jit(kernel)(*tuple(_d.values())))

</pallas_src>

<mosaic_0001>
#map = affine_map<(d0, d1) -> (0, 0)>
#map1 = affine_map<(d0, d1) -> (0)>
module attributes {stable_mosaic.version = 14 : i64} {
  func.func @_sc_dot(%arg0: i32, %arg1: i32, %arg2: memref<10000x128xi32, #tpu.memory_space<hbm>>, %arg3: memref<160000xi32, #tpu.memory_space<hbm>>, %arg4: memref<160000xi32, #tpu.memory_space<hbm>>, %arg5: memref<160000xf32, #tpu.memory_space<hbm>>, %arg6: memref<10000x128xi32, #tpu.memory_space<vmem_shared>>, %arg7: memref<5000xi32, #tpu.memory_space<vmem>>, %arg8: memref<5000xi32, #tpu.memory_space<vmem>>, %arg9: memref<64x128xi32, #tpu.memory_space<vmem>>, %arg10: memref<64x128xi32, #tpu.memory_space<vmem>>, %arg11: memref<64x128xi32, #tpu.memory_space<vmem>>, %arg12: memref<64x128xi32, #tpu.memory_space<vmem>>, %arg13: memref<64xf32, #tpu.memory_space<vmem>>, %arg14: memref<64xf32, #tpu.memory_space<vmem>>, %arg15: memref<!tpu.dma_semaphore, #tpu.memory_space<semaphore_mem>>, %arg16: memref<!tpu.dma_semaphore, #tpu.memory_space<semaphore_mem>>, %arg17: memref<!tpu.dma_semaphore, #tpu.memory_space<semaphore_mem>>, %arg18: memref<!tpu.dma_semaphore, #tpu.memory_space<semaphore_mem>>) attributes {dimension_semantics = [#tpu.dimension_semantics<core_parallel>, #tpu.dimension_semantics<subcore_parallel>], iteration_bounds = array<i64: 2, 16>, scalar_prefetch = 0 : i64, scratch_operands = 13 : i64, tpu.core_type = #tpu.core_type<sc_vector_subcore>, window_params = [{transform_indices = #map}, {transform_indices = #map1}, {transform_indices = #map1}, {transform_indices = #map1}]} {
    %mul3A = arith.constant 2 : i32
    %mul3A_0 = arith.muli %arg1, %mul3A : i32
    %add3A = arith.addi %mul3A_0, %arg0 : i32
    %mul3A_1 = arith.constant 5000 : i32
    %mul3A_2 = arith.muli %add3A, %mul3A_1 : i32
    %multiple_of3A = tpu.assume_multiple %mul3A_2, 8 : i32
    %iota3A = tpu.iota {dimensions = array<i32: 0>} : vector<16xi32>
    "tpu.region"() ({
      %run_scoped3A = tpu.sem_alloc : memref<!tpu.dma_semaphore, #tpu.memory_space<semaphore_mem>>
      %dma_start3A_83 = tpu.memref_slice %arg3[%multiple_of3A] : memref<160000xi32, #tpu.memory_space<hbm>> -> memref<5000xi32, #tpu.memory_space<hbm>>
      %dma_start3A_84 = tpu.memref_slice %arg3[%multiple_of3A] : memref<160000xi32, #tpu.memory_space<hbm>> -> memref<5000xi32, #tpu.memory_space<hbm>>
      tpu.enqueue_dma source(%dma_start3A_84 : memref<5000xi32, #tpu.memory_space<hbm>>) target(%arg7 : memref<5000xi32, #tpu.memory_space<vmem>>) target_semaphore(%run_scoped3A : memref<!tpu.dma_semaphore, #tpu.memory_space<semaphore_mem>>)
      %dma_wait3A_85 = tpu.memref_slice %arg3[%multiple_of3A] : memref<160000xi32, #tpu.memory_space<hbm>> -> memref<5000xi32, #tpu.memory_space<hbm>>
      %dma_wait3A_86 = tpu.memref_slice %arg3[%multiple_of3A] : memref<160000xi32, #tpu.memory_space<hbm>> -> memref<5000xi32, #tpu.memory_space<hbm>>
      tpu.wait_dma2 semaphore(%run_scoped3A : memref<!tpu.dma_semaphore, #tpu.memory_space<semaphore_mem>>) src(%dma_wait3A_86 : memref<5000xi32, #tpu.memory_space<hbm>>) dst(%arg7 : memref<5000xi32, #tpu.memory_space<vmem>>)
      tpu.yield
    }) : () -> ()
    "tpu.region"() ({
      %run_scoped3A = tpu.sem_alloc : memref<!tpu.dma_semaphore, #tpu.memory_space<semaphore_mem>>
      %dma_start3A_83 = tpu.memref_slice %arg4[%multiple_of3A] : memref<160000xi32, #tpu.memory_space<hbm>> -> memref<5000xi32, #tpu.memory_space<hbm>>
      %dma_start3A_84 = tpu.memref_slice %arg4[%multiple_of3A] : memref<160000xi32, #tpu.memory_space<hbm>> -> memref<5000xi32, #tpu.memory_space<hbm>>
      tpu.enqueue_dma source(%dma_start3A_84 : memref<5000xi32, #tpu.memory_space<hbm>>) target(%arg8 : memref<5000xi32, #tpu.memory_space<vmem>>) target_semaphore(%run_scoped3A : memref<!tpu.dma_semaphore, #tpu.memory_space<semaphore_mem>>)
      %dma_wait3A_85 = tpu.memref_slice %arg4[%multiple_of3A] : memref<160000xi32, #tpu.memory_space<hbm>> -> memref<5000xi32, #tpu.memory_space<hbm>>
      %dma_wait3A_86 = tpu.memref_slice %arg4[%multiple_of3A] : memref<160000xi32, #tpu.memory_space<hbm>> -> memref<5000xi32, #tpu.memory_space<hbm>>
      tpu.wait_dma2 semaphore(%run_scoped3A : memref<!tpu.dma_semaphore, #tpu.memory_space<semaphore_mem>>) src(%dma_wait3A_86 : memref<5000xi32, #tpu.memory_space<hbm>>) dst(%arg8 : memref<5000xi32, #tpu.memory_space<vmem>>)
      tpu.yield
    }) : () -> ()
    %eq3A = arith.constant 0 : i32
    %eq3A_3 = arith.cmpi eq, %arg1, %eq3A : i32
    %convert_element_type3A = arith.extui %eq3A_3 : i1 to i32
    %cond3A = arith.constant 0 : i32
    %cond3A_4 = arith.cmpi ne, %convert_element_type3A, %cond3A : i32
    scf.if %cond3A_4 {
      "tpu.region"() ({
        %run_scoped3A = tpu.sem_alloc : memref<!tpu.dma_semaphore, #tpu.memory_space<semaphore_mem>>
        tpu.enqueue_dma source(%arg2 : memref<10000x128xi32, #tpu.memory_space<hbm>>) target(%arg6 : memref<10000x128xi32, #tpu.memory_space<vmem_shared>>) target_semaphore(%run_scoped3A : memref<!tpu.dma_semaphore, #tpu.memory_space<semaphore_mem>>)
        tpu.wait_dma2 semaphore(%run_scoped3A : memref<!tpu.dma_semaphore, #tpu.memory_space<semaphore_mem>>) src(%arg2 : memref<10000x128xi32, #tpu.memory_space<hbm>>) dst(%arg6 : memref<10000x128xi32, #tpu.memory_space<vmem_shared>>)
        tpu.yield
      }) : () -> ()
    } else {
    }
    %barrier3A = arith.constant 0 : index
    tpu.barrier barrier_id(%barrier3A)
    %min3A = arith.constant 0 : i32
    %min3A_5 = arith.constant 4936 : i32
    %min3A_6 = arith.minsi %min3A, %min3A_5 : i32
    %multiple_of3A_7 = tpu.assume_multiple %min3A_6, 8 : i32
    %dma_start3A = arith.constant 0 : i32
    %dma_start3A_8 = arith.constant 0 : i32
    %dma_start3A_9 = tpu.memref_slice %arg9[%dma_start3A, %dma_start3A_8] : memref<64x128xi32, #tpu.memory_space<vmem>> -> memref<32x128xi32, #tpu.memory_space<vmem>>
    %dma_start3A_10 = tpu.memref_slice %arg7[%multiple_of3A_7] : memref<5000xi32, #tpu.memory_space<vmem>> -> memref<32xi32, #tpu.memory_space<vmem>>
    %dma_start3A_11 = arith.constant 0 : i32
    %dma_start3A_12 = arith.constant 0 : i32
    %dma_start3A_13 = tpu.memref_slice %arg6[%dma_start3A_11, %dma_start3A_12] : memref<10000x128xi32, #tpu.memory_space<vmem_shared>> -> memref<10000x128xi32, #tpu.memory_space<vmem_shared>>
    tpu.enqueue_indirect_dma source(%dma_start3A_13 : memref<10000x128xi32, #tpu.memory_space<vmem_shared>>) target(%dma_start3A_9 : memref<32x128xi32, #tpu.memory_space<vmem>>) offsets(%dma_start3A_10 : memref<32xi32, #tpu.memory_space<vmem>>) semaphore(%arg15 : memref<!tpu.dma_semaphore, #tpu.memory_space<semaphore_mem>>)
    %add3A_14 = arith.constant 32 : i32
    %add3A_15 = arith.addi %multiple_of3A_7, %add3A_14 : i32
    %dma_start3A_16 = arith.constant 32 : i32
    %dma_start3A_17 = arith.constant 0 : i32
    %dma_start3A_18 = tpu.memref_slice %arg9[%dma_start3A_16, %dma_start3A_17] : memref<64x128xi32, #tpu.memory_space<vmem>> -> memref<32x128xi32, #tpu.memory_space<vmem>>
    %dma_start3A_19 = tpu.memref_slice %arg7[%add3A_15] : memref<5000xi32, #tpu.memory_space<vmem>> -> memref<32xi32, #tpu.memory_space<vmem>>
    %dma_start3A_20 = arith.constant 0 : i32
    %dma_start3A_21 = arith.constant 0 : i32
    %dma_start3A_22 = tpu.memref_slice %arg6[%dma_start3A_20, %dma_start3A_21] : memref<10000x128xi32, #tpu.memory_space<vmem_shared>> -> memref<10000x128xi32, #tpu.memory_space<vmem_shared>>
    tpu.enqueue_indirect_dma source(%dma_start3A_22 : memref<10000x128xi32, #tpu.memory_space<vmem_shared>>) target(%dma_start3A_18 : memref<32x128xi32, #tpu.memory_space<vmem>>) offsets(%dma_start3A_19 : memref<32xi32, #tpu.memory_space<vmem>>) semaphore(%arg15 : memref<!tpu.dma_semaphore, #tpu.memory_space<semaphore_mem>>)
    %dma_start3A_23 = arith.constant 0 : i32
    %dma_start3A_24 = arith.constant 0 : i32
    %dma_start3A_25 = tpu.memref_slice %arg11[%dma_start3A_23, %dma_start3A_24] : memref<64x128xi32, #tpu.memory_space<vmem>> -> memref<32x128xi32, #tpu.memory_space<vmem>>
    %dma_start3A_26 = tpu.memref_slice %arg8[%multiple_of3A_7] : memref<5000xi32, #tpu.memory_space<vmem>> -> memref<32xi32, #tpu.memory_space<vmem>>
    %dma_start3A_27 = arith.constant 0 : i32
    %dma_start3A_28 = arith.constant 0 : i32
    %dma_start3A_29 = tpu.memref_slice %arg6[%dma_start3A_27, %dma_start3A_28] : memref<10000x128xi32, #tpu.memory_space<vmem_shared>> -> memref<10000x128xi32, #tpu.memory_space<vmem_shared>>
    tpu.enqueue_indirect_dma source(%dma_start3A_29 : memref<10000x128xi32, #tpu.memory_space<vmem_shared>>) target(%dma_start3A_25 : memref<32x128xi32, #tpu.memory_space<vmem>>) offsets(%dma_start3A_26 : memref<32xi32, #tpu.memory_space<vmem>>) semaphore(%arg15 : memref<!tpu.dma_semaphore, #tpu.memory_space<semaphore_mem>>)
    %add3A_30 = arith.constant 32 : i32
    %add3A_31 = arith.addi %multiple_of3A_7, %add3A_30 : i32
    %dma_start3A_32 = arith.constant 32 : i32
    %dma_start3A_33 = arith.constant 0 : i32
    %dma_start3A_34 = tpu.memref_slice %arg11[%dma_start3A_32, %dma_start3A_33] : memref<64x128xi32, #tpu.memory_space<vmem>> -> memref<32x128xi32, #tpu.memory_space<vmem>>
    %dma_start3A_35 = tpu.memref_slice %arg8[%add3A_31] : memref<5000xi32, #tpu.memory_space<vmem>> -> memref<32xi32, #tpu.memory_space<vmem>>
    %dma_start3A_36 = arith.constant 0 : i32
    %dma_start3A_37 = arith.constant 0 : i32
    %dma_start3A_38 = tpu.memref_slice %arg6[%dma_start3A_36, %dma_start3A_37] : memref<10000x128xi32, #tpu.memory_space<vmem_shared>> -> memref<10000x128xi32, #tpu.memory_space<vmem_shared>>
    tpu.enqueue_indirect_dma source(%dma_start3A_38 : memref<10000x128xi32, #tpu.memory_space<vmem_shared>>) target(%dma_start3A_34 : memref<32x128xi32, #tpu.memory_space<vmem>>) offsets(%dma_start3A_35 : memref<32xi32, #tpu.memory_space<vmem>>) semaphore(%arg15 : memref<!tpu.dma_semaphore, #tpu.memory_space<semaphore_mem>>)
    %min3A_39 = arith.constant 64 : i32
    %min3A_40 = arith.constant 4936 : i32
    %min3A_41 = arith.minsi %min3A_39, %min3A_40 : i32
    %multiple_of3A_42 = tpu.assume_multiple %min3A_41, 8 : i32
    %dma_start3A_43 = arith.constant 0 : i32
    %dma_start3A_44 = arith.constant 0 : i32
    %dma_start3A_45 = tpu.memref_slice %arg10[%dma_start3A_43, %dma_start3A_44] : memref<64x128xi32, #tpu.memory_space<vmem>> -> memref<32x128xi32, #tpu.memory_space<vmem>>
    %dma_start3A_46 = tpu.memref_slice %arg7[%multiple_of3A_42] : memref<5000xi32, #tpu.memory_space<vmem>> -> memref<32xi32, #tpu.memory_space<vmem>>
    %dma_start3A_47 = arith.constant 0 : i32
    %dma_start3A_48 = arith.constant 0 : i32
    %dma_start3A_49 = tpu.memref_slice %arg6[%dma_start3A_47, %dma_start3A_48] : memref<10000x128xi32, #tpu.memory_space<vmem_shared>> -> memref<10000x128xi32, #tpu.memory_space<vmem_shared>>
    tpu.enqueue_indirect_dma source(%dma_start3A_49 : memref<10000x128xi32, #tpu.memory_space<vmem_shared>>) target(%dma_start3A_45 : memref<32x128xi32, #tpu.memory_space<vmem>>) offsets(%dma_start3A_46 : memref<32xi32, #tpu.memory_space<vmem>>) semaphore(%arg16 : memref<!tpu.dma_semaphore, #tpu.memory_space<semaphore_mem>>)
    %add3A_50 = arith.constant 32 : i32
    %add3A_51 = arith.addi %multiple_of3A_42, %add3A_50 : i32
    %dma_start3A_52 = arith.constant 32 : i32
    %dma_start3A_53 = arith.constant 0 : i32
    %dma_start3A_54 = tpu.memref_slice %arg10[%dma_start3A_52, %dma_start3A_53] : memref<64x128xi32, #tpu.memory_space<vmem>> -> memref<32x128xi32, #tpu.memory_space<vmem>>
    %dma_start3A_55 = tpu.memref_slice %arg7[%add3A_51] : memref<5000xi32, #tpu.memory_space<vmem>> -> memref<32xi32, #tpu.memory_space<vmem>>
    %dma_start3A_56 = arith.constant 0 : i32
    %dma_start3A_57 = arith.constant 0 : i32
    %dma_start3A_58 = tpu.memref_slice %arg6[%dma_start3A_56, %dma_start3A_57] : memref<10000x128xi32, #tpu.memory_space<vmem_shared>> -> memref<10000x128xi32, #tpu.memory_space<vmem_shared>>
    tpu.enqueue_indirect_dma source(%dma_start3A_58 : memref<10000x128xi32, #tpu.memory_space<vmem_shared>>) target(%dma_start3A_54 : memref<32x128xi32, #tpu.memory_space<vmem>>) offsets(%dma_start3A_55 : memref<32xi32, #tpu.memory_space<vmem>>) semaphore(%arg16 : memref<!tpu.dma_semaphore, #tpu.memory_space<semaphore_mem>>)
    %dma_start3A_59 = arith.constant 0 : i32
    %dma_start3A_60 = arith.constant 0 : i32
    %dma_start3A_61 = tpu.memref_slice %arg12[%dma_start3A_59, %dma_start3A_60] : memref<64x128xi32, #tpu.memory_space<vmem>> -> memref<32x128xi32, #tpu.memory_space<vmem>>
    %dma_start3A_62 = tpu.memref_slice %arg8[%multiple_of3A_42] : memref<5000xi32, #tpu.memory_space<vmem>> -> memref<32xi32, #tpu.memory_space<vmem>>
    %dma_start3A_63 = arith.constant 0 : i32
    %dma_start3A_64 = arith.constant 0 : i32
    %dma_start3A_65 = tpu.memref_slice %arg6[%dma_start3A_63, %dma_start3A_64] : memref<10000x128xi32, #tpu.memory_space<vmem_shared>> -> memref<10000x128xi32, #tpu.memory_space<vmem_shared>>
    tpu.enqueue_indirect_dma source(%dma_start3A_65 : memref<10000x128xi32, #tpu.memory_space<vmem_shared>>) target(%dma_start3A_61 : memref<32x128xi32, #tpu.memory_space<vmem>>) offsets(%dma_start3A_62 : memref<32xi32, #tpu.memory_space<vmem>>) semaphore(%arg16 : memref<!tpu.dma_semaphore, #tpu.memory_space<semaphore_mem>>)
    %add3A_66 = arith.constant 32 : i32
    %add3A_67 = arith.addi %multiple_of3A_42, %add3A_66 : i32
    %dma_start3A_68 = arith.constant 32 : i32
    %dma_start3A_69 = arith.constant 0 : i32
    %dma_start3A_70 = tpu.memref_slice %arg12[%dma_start3A_68, %dma_start3A_69] : memref<64x128xi32, #tpu.memory_space<vmem>> -> memref<32x128xi32, #tpu.memory_space<vmem>>
    %dma_start3A_71 = tpu.memref_slice %arg8[%add3A_67] : memref<5000xi32, #tpu.memory_space<vmem>> -> memref<32xi32, #tpu.memory_space<vmem>>
    %dma_start3A_72 = arith.constant 0 : i32
    %dma_start3A_73 = arith.constant 0 : i32
    %dma_start3A_74 = tpu.memref_slice %arg6[%dma_start3A_72, %dma_start3A_73] : memref<10000x128xi32, #tpu.memory_space<vmem_shared>> -> memref<10000x128xi32, #tpu.memory_space<vmem_shared>>
    tpu.enqueue_indirect_dma source(%dma_start3A_74 : memref<10000x128xi32, #tpu.memory_space<vmem_shared>>) target(%dma_start3A_70 : memref<32x128xi32, #tpu.memory_space<vmem>>) offsets(%dma_start3A_71 : memref<32xi32, #tpu.memory_space<vmem>>) semaphore(%arg16 : memref<!tpu.dma_semaphore, #tpu.memory_space<semaphore_mem>>)
    %scan3A = arith.constant 0 : i32
    %scan3A_75 = arith.constant 0 : i32
    %scan3A_76 = arith.constant 40 : i32
    %scan3A_77 = arith.addi %scan3A_75, %scan3A_76 : i32
    %scan3A_78 = arith.constant 1 : i32
    scf.for %scan3A_83 = %scan3A_75 to %scan3A_77 step %scan3A_78  : i32 {
      %mul3A_84 = arith.constant 2 : i32
      %mul3A_85 = arith.muli %mul3A_84, %scan3A_83 : i32
      %add3A_86 = arith.constant 0 : i32
      %add3A_87 = arith.addi %mul3A_85, %add3A_86 : i32
      %lt3A = arith.constant 79 : i32
      %lt3A_88 = arith.cmpi slt, %add3A_87, %lt3A : i32
      %convert_element_type3A_89 = arith.extui %lt3A_88 : i1 to i32
      %cond3A_90 = arith.constant 0 : i32
      %cond3A_91 = arith.cmpi ne, %convert_element_type3A_89, %cond3A_90 : i32
      scf.if %cond3A_91 {
        %dma_wait3A_115 = arith.constant 0 : i32
        %dma_wait3A_116 = tpu.memref_slice %arg7[%dma_wait3A_115] : memref<5000xi32, #tpu.memory_space<vmem>> -> memref<64xi32, #tpu.memory_space<vmem>>
        %dma_wait3A_117 = arith.constant 0 : i32
        %dma_wait3A_118 = arith.constant 0 : i32
        %dma_wait3A_119 = tpu.memref_slice %arg6[%dma_wait3A_117, %dma_wait3A_118] : memref<10000x128xi32, #tpu.memory_space<vmem_shared>> -> memref<10000x128xi32, #tpu.memory_space<vmem_shared>>
        tpu.wait_indirect_dma semaphore(%arg15 : memref<!tpu.dma_semaphore, #tpu.memory_space<semaphore_mem>>) src(%dma_wait3A_119 : memref<10000x128xi32, #tpu.memory_space<vmem_shared>>) dst(%arg9 : memref<64x128xi32, #tpu.memory_space<vmem>>)
        %dma_wait3A_120 = arith.constant 0 : i32
        %dma_wait3A_121 = tpu.memref_slice %arg8[%dma_wait3A_120] : memref<5000xi32, #tpu.memory_space<vmem>> -> memref<64xi32, #tpu.memory_space<vmem>>
        %dma_wait3A_122 = arith.constant 0 : i32
        %dma_wait3A_123 = arith.constant 0 : i32
        %dma_wait3A_124 = tpu.memref_slice %arg6[%dma_wait3A_122, %dma_wait3A_123] : memref<10000x128xi32, #tpu.memory_space<vmem_shared>> -> memref<10000x128xi32, #tpu.memory_space<vmem_shared>>
        tpu.wait_indirect_dma semaphore(%arg15 : memref<!tpu.dma_semaphore, #tpu.memory_space<semaphore_mem>>) src(%dma_wait3A_124 : memref<10000x128xi32, #tpu.memory_space<vmem_shared>>) dst(%arg11 : memref<64x128xi32, #tpu.memory_space<vmem>>)
        %ge3A = arith.constant 2 : i32
        %ge3A_125 = arith.cmpi sge, %add3A_87, %ge3A : i32
        %convert_element_type3A_126 = arith.extui %ge3A_125 : i1 to i32
        %cond3A_127 = arith.constant 0 : i32
        %cond3A_128 = arith.cmpi ne, %convert_element_type3A_126, %cond3A_127 : i32
        scf.if %cond3A_128 {
          %dma_wait3A_143 = tpu.memref_slice %arg5[%multiple_of3A] : memref<160000xf32, #tpu.memory_space<hbm>> -> memref<64xf32, #tpu.memory_space<hbm>>
          %dma_wait3A_144 = tpu.memref_slice %arg5[%multiple_of3A] : memref<160000xf32, #tpu.memory_space<hbm>> -> memref<64xf32, #tpu.memory_space<hbm>>
          tpu.wait_dma2 semaphore(%arg17 : memref<!tpu.dma_semaphore, #tpu.memory_space<semaphore_mem>>) src(%arg13 : memref<64xf32, #tpu.memory_space<vmem>>) dst(%dma_wait3A_144 : memref<64xf32, #tpu.memory_space<hbm>>)
        } else {
        }
        %scan3A_129 = arith.constant 0 : i32
        %scan3A_130 = arith.constant 0 : i32
        %scan3A_131 = arith.constant 4 : i32
        %scan3A_132 = arith.addi %scan3A_130, %scan3A_131 : i32
        %scan3A_133 = arith.constant 1 : i32
        scf.for %scan3A_143 = %scan3A_130 to %scan3A_132 step %scan3A_133  : i32 {
          %mul3A_144 = arith.constant 16 : i32
          %mul3A_145 = arith.muli %scan3A_143, %mul3A_144 : i32
          %add3A_146 = arith.constant 16 : i32
          %add3A_147 = arith.addi %mul3A_145, %add3A_146 : i32
          %broadcast_in_dim3A = arith.constant 0.000000e+00 : f32
          %broadcast_in_dim3A_148 = vector.broadcast %broadcast_in_dim3A : f32 to vector<16xf32>
          %while3A = arith.subi %add3A_147, %mul3A_145 : i32
          %while3A_149 = arith.addi %mul3A_145, %while3A : i32
          %while3A_150 = arith.constant 1 : i32
          %while3A_151 = arith.divsi %while3A, %while3A_150 : i32
          %while3A_152 = arith.muli %while3A_151, %while3A_150 : i32
          %while3A_153 = arith.addi %mul3A_145, %while3A_152 : i32
          %while3A_154 = arith.constant 1 : i32
          %while3A_155 = scf.for %while3A_159 = %mul3A_145 to %while3A_153 step %while3A_154 iter_args(%while3A_160 = %broadcast_in_dim3A_148) -> (vector<16xf32>)  : i32 {
            %broadcast_in_dim3A_161 = arith.constant 0.000000e+00 : f32
            %broadcast_in_dim3A_162 = vector.broadcast %broadcast_in_dim3A_161 : f32 to vector<16xf32>
            %get3A = arith.index_cast %while3A_159 : i32 to index
            %get3A_163 = arith.constant 0 : index
            %get3A_164 = tpu.vector_load %arg9[%get3A, %get3A_163] {strides = array<i32>} : memref<64x128xi32, #tpu.memory_space<vmem>>, vector<16xi32>,
            %get3A_165 = arith.index_cast %while3A_159 : i32 to index
            %get3A_166 = arith.constant 0 : index
            %get3A_167 = tpu.vector_load %arg11[%get3A_165, %get3A_166] {strides = array<i32>} : memref<64x128xi32, #tpu.memory_space<vmem>>, vector<16xi32>,
            %shift_left3A = arith.constant 16 : i32
            %shift_left3A_168 = vector.broadcast %shift_left3A : i32 to vector<16xi32>
            %shift_left3A_169 = arith.shli %get3A_164, %shift_left3A_168 : vector<16xi32>
            %bitcast3A = vector.bitcast %shift_left3A_169 : vector<16xi32> to vector<16xf32>
            %bitcast3A_170 = vector.bitcast %get3A_164 : vector<16xi32> to vector<16xf32>
            %shift_left3A_171 = arith.constant 16 : i32
            %shift_left3A_172 = vector.broadcast %shift_left3A_171 : i32 to vector<16xi32>
            %shift_left3A_173 = arith.shli %get3A_167, %shift_left3A_172 : vector<16xi32>
            %bitcast3A_174 = vector.bitcast %shift_left3A_173 : vector<16xi32> to vector<16xf32>
            %bitcast3A_175 = vector.bitcast %get3A_167 : vector<16xi32> to vector<16xf32>
            %mul3A_176 = arith.mulf %bitcast3A, %bitcast3A_174 : vector<16xf32>
            %add3A_177 = arith.addf %broadcast_in_dim3A_162, %mul3A_176 : vector<16xf32>
            %mul3A_178 = arith.mulf %bitcast3A_170, %bitcast3A_175 : vector<16xf32>
            %add3A_179 = arith.addf %broadcast_in_dim3A_162, %mul3A_178 : vector<16xf32>
            %get3A_180 = arith.index_cast %while3A_159 : i32 to index
            %get3A_181 = arith.constant 16 : index
            %get3A_182 = tpu.vector_load %arg9[%get3A_180, %get3A_181] {strides = array<i32>} : memref<64x128xi32, #tpu.memory_space<vmem>>, vector<16xi32>,
            %get3A_183 = arith.index_cast %while3A_159 : i32 to index
            %get3A_184 = arith.constant 16 : index
            %get3A_185 = tpu.vector_load %arg11[%get3A_183, %get3A_184] {strides = array<i32>} : memref<64x128xi32, #tpu.memory_space<vmem>>, vector<16xi32>,
            %shift_left3A_186 = arith.constant 16 : i32
            %shift_left3A_187 = vector.broadcast %shift_left3A_186 : i32 to vector<16xi32>
            %shift_left3A_188 = arith.shli %get3A_182, %shift_left3A_187 : vector<16xi32>
            %bitcast3A_189 = vector.bitcast %shift_left3A_188 : vector<16xi32> to vector<16xf32>
            %bitcast3A_190 = vector.bitcast %get3A_182 : vector<16xi32> to vector<16xf32>
            %shift_left3A_191 = arith.constant 16 : i32
            %shift_left3A_192 = vector.broadcast %shift_left3A_191 : i32 to vector<16xi32>
            %shift_left3A_193 = arith.shli %get3A_185, %shift_left3A_192 : vector<16xi32>
            %bitcast3A_194 = vector.bitcast %shift_left3A_193 : vector<16xi32> to vector<16xf32>
            %bitcast3A_195 = vector.bitcast %get3A_185 : vector<16xi32> to vector<16xf32>
            %mul3A_196 = arith.mulf %bitcast3A_189, %bitcast3A_194 : vector<16xf32>
            %add3A_197 = arith.addf %broadcast_in_dim3A_162, %mul3A_196 : vector<16xf32>
            %mul3A_198 = arith.mulf %bitcast3A_190, %bitcast3A_195 : vector<16xf32>
            %add3A_199 = arith.addf %broadcast_in_dim3A_162, %mul3A_198 : vector<16xf32>
            %get3A_200 = arith.index_cast %while3A_159 : i32 to index
            %get3A_201 = arith.constant 32 : index
            %get3A_202 = tpu.vector_load %arg9[%get3A_200, %get3A_201] {strides = array<i32>} : memref<64x128xi32, #tpu.memory_space<vmem>>, vector<16xi32>,
            %get3A_203 = arith.index_cast %while3A_159 : i32 to index
            %get3A_204 = arith.constant 32 : index
            %get3A_205 = tpu.vector_load %arg11[%get3A_203, %get3A_204] {strides = array<i32>} : memref<64x128xi32, #tpu.memory_space<vmem>>, vector<16xi32>,
            %shift_left3A_206 = arith.constant 16 : i32
            %shift_left3A_207 = vector.broadcast %shift_left3A_206 : i32 to vector<16xi32>
            %shift_left3A_208 = arith.shli %get3A_202, %shift_left3A_207 : vector<16xi32>
            %bitcast3A_209 = vector.bitcast %shift_left3A_208 : vector<16xi32> to vector<16xf32>
            %bitcast3A_210 = vector.bitcast %get3A_202 : vector<16xi32> to vector<16xf32>
            %shift_left3A_211 = arith.constant 16 : i32
            %shift_left3A_212 = vector.broadcast %shift_left3A_211 : i32 to vector<16xi32>
            %shift_left3A_213 = arith.shli %get3A_205, %shift_left3A_212 : vector<16xi32>
            %bitcast3A_214 = vector.bitcast %shift_left3A_213 : vector<16xi32> to vector<16xf32>
            %bitcast3A_215 = vector.bitcast %get3A_205 : vector<16xi32> to vector<16xf32>
            %mul3A_216 = arith.mulf %bitcast3A_209, %bitcast3A_214 : vector<16xf32>
            %add3A_217 = arith.addf %add3A_177, %mul3A_216 : vector<16xf32>
            %mul3A_218 = arith.mulf %bitcast3A_210, %bitcast3A_215 : vector<16xf32>
            %add3A_219 = arith.addf %add3A_179, %mul3A_218 : vector<16xf32>
            %get3A_220 = arith.index_cast %while3A_159 : i32 to index
            %get3A_221 = arith.constant 48 : index
            %get3A_222 = tpu.vector_load %arg9[%get3A_220, %get3A_221] {strides = array<i32>} : memref<64x128xi32, #tpu.memory_space<vmem>>, vector<16xi32>,
            %get3A_223 = arith.index_cast %while3A_159 : i32 to index
            %get3A_224 = arith.constant 48 : index
            %get3A_225 = tpu.vector_load %arg11[%get3A_223, %get3A_224] {strides = array<i32>} : memref<64x128xi32, #tpu.memory_space<vmem>>, vector<16xi32>,
            %shift_left3A_226 = arith.constant 16 : i32
            %shift_left3A_227 = vector.broadcast %shift_left3A_226 : i32 to vector<16xi32>
            %shift_left3A_228 = arith.shli %get3A_222, %shift_left3A_227 : vector<16xi32>
            %bitcast3A_229 = vector.bitcast %shift_left3A_228 : vector<16xi32> to vector<16xf32>
            %bitcast3A_230 = vector.bitcast %get3A_222 : vector<16xi32> to vector<16xf32>
            %shift_left3A_231 = arith.constant 16 : i32
            %shift_left3A_232 = vector.broadcast %shift_left3A_231 : i32 to vector<16xi32>
            %shift_left3A_233 = arith.shli %get3A_225, %shift_left3A_232 : vector<16xi32>
            %bitcast3A_234 = vector.bitcast %shift_left3A_233 : vector<16xi32> to vector<16xf32>
            %bitcast3A_235 = vector.bitcast %get3A_225 : vector<16xi32> to vector<16xf32>
            %mul3A_236 = arith.mulf %bitcast3A_229, %bitcast3A_234 : vector<16xf32>
            %add3A_237 = arith.addf %add3A_197, %mul3A_236 : vector<16xf32>
            %mul3A_238 = arith.mulf %bitcast3A_230, %bitcast3A_235 : vector<16xf32>
            %add3A_239 = arith.addf %add3A_199, %mul3A_238 : vector<16xf32>
            %get3A_240 = arith.index_cast %while3A_159 : i32 to index
            %get3A_241 = arith.constant 64 : index
            %get3A_242 = tpu.vector_load %arg9[%get3A_240, %get3A_241] {strides = array<i32>} : memref<64x128xi32, #tpu.memory_space<vmem>>, vector<16xi32>,
            %get3A_243 = arith.index_cast %while3A_159 : i32 to index
            %get3A_244 = arith.constant 64 : index
            %get3A_245 = tpu.vector_load %arg11[%get3A_243, %get3A_244] {strides = array<i32>} : memref<64x128xi32, #tpu.memory_space<vmem>>, vector<16xi32>,
            %shift_left3A_246 = arith.constant 16 : i32
            %shift_left3A_247 = vector.broadcast %shift_left3A_246 : i32 to vector<16xi32>
            %shift_left3A_248 = arith.shli %get3A_242, %shift_left3A_247 : vector<16xi32>
            %bitcast3A_249 = vector.bitcast %shift_left3A_248 : vector<16xi32> to vector<16xf32>
            %bitcast3A_250 = vector.bitcast %get3A_242 : vector<16xi32> to vector<16xf32>
            %shift_left3A_251 = arith.constant 16 : i32
            %shift_left3A_252 = vector.broadcast %shift_left3A_251 : i32 to vector<16xi32>
            %shift_left3A_253 = arith.shli %get3A_245, %shift_left3A_252 : vector<16xi32>
            %bitcast3A_254 = vector.bitcast %shift_left3A_253 : vector<16xi32> to vector<16xf32>
            %bitcast3A_255 = vector.bitcast %get3A_245 : vector<16xi32> to vector<16xf32>
            %mul3A_256 = arith.mulf %bitcast3A_249, %bitcast3A_254 : vector<16xf32>
            %add3A_257 = arith.addf %add3A_217, %mul3A_256 : vector<16xf32>
            %mul3A_258 = arith.mulf %bitcast3A_250, %bitcast3A_255 : vector<16xf32>
            %add3A_259 = arith.addf %add3A_219, %mul3A_258 : vector<16xf32>
            %get3A_260 = arith.index_cast %while3A_159 : i32 to index
            %get3A_261 = arith.constant 80 : index
            %get3A_262 = tpu.vector_load %arg9[%get3A_260, %get3A_261] {strides = array<i32>} : memref<64x128xi32, #tpu.memory_space<vmem>>, vector<16xi32>,
            %get3A_263 = arith.index_cast %while3A_159 : i32 to index
            %get3A_264 = arith.constant 80 : index
            %get3A_265 = tpu.vector_load %arg11[%get3A_263, %get3A_264] {strides = array<i32>} : memref<64x128xi32, #tpu.memory_space<vmem>>, vector<16xi32>,
            %shift_left3A_266 = arith.constant 16 : i32
            %shift_left3A_267 = vector.broadcast %shift_left3A_266 : i32 to vector<16xi32>
            %shift_left3A_268 = arith.shli %get3A_262, %shift_left3A_267 : vector<16xi32>
            %bitcast3A_269 = vector.bitcast %shift_left3A_268 : vector<16xi32> to vector<16xf32>
            %bitcast3A_270 = vector.bitcast %get3A_262 : vector<16xi32> to vector<16xf32>
            %shift_left3A_271 = arith.constant 16 : i32
            %shift_left3A_272 = vector.broadcast %shift_left3A_271 : i32 to vector<16xi32>
            %shift_left3A_273 = arith.shli %get3A_265, %shift_left3A_272 : vector<16xi32>
            %bitcast3A_274 = vector.bitcast %shift_left3A_273 : vector<16xi32> to vector<16xf32>
            %bitcast3A_275 = vector.bitcast %get3A_265 : vector<16xi32> to vector<16xf32>
            %mul3A_276 = arith.mulf %bitcast3A_269, %bitcast3A_274 : vector<16xf32>
            %add3A_277 = arith.addf %add3A_237, %mul3A_276 : vector<16xf32>
            %mul3A_278 = arith.mulf %bitcast3A_270, %bitcast3A_275 : vector<16xf32>
            %add3A_279 = arith.addf %add3A_239, %mul3A_278 : vector<16xf32>
            %get3A_280 = arith.index_cast %while3A_159 : i32 to index
            %get3A_281 = arith.constant 96 : index
            %get3A_282 = tpu.vector_load %arg9[%get3A_280, %get3A_281] {strides = array<i32>} : memref<64x128xi32, #tpu.memory_space<vmem>>, vector<16xi32>,
            %get3A_283 = arith.index_cast %while3A_159 : i32 to index
            %get3A_284 = arith.constant 96 : index
            %get3A_285 = tpu.vector_load %arg11[%get3A_283, %get3A_284] {strides = array<i32>} : memref<64x128xi32, #tpu.memory_space<vmem>>, vector<16xi32>,
            %shift_left3A_286 = arith.constant 16 : i32
            %shift_left3A_287 = vector.broadcast %shift_left3A_286 : i32 to vector<16xi32>
            %shift_left3A_288 = arith.shli %get3A_282, %shift_left3A_287 : vector<16xi32>
            %bitcast3A_289 = vector.bitcast %shift_left3A_288 : vector<16xi32> to vector<16xf32>
            %bitcast3A_290 = vector.bitcast %get3A_282 : vector<16xi32> to vector<16xf32>
            %shift_left3A_291 = arith.constant 16 : i32
            %shift_left3A_292 = vector.broadcast %shift_left3A_291 : i32 to vector<16xi32>
            %shift_left3A_293 = arith.shli %get3A_285, %shift_left3A_292 : vector<16xi32>
            %bitcast3A_294 = vector.bitcast %shift_left3A_293 : vector<16xi32> to vector<16xf32>
            %bitcast3A_295 = vector.bitcast %get3A_285 : vector<16xi32> to vector<16xf32>
            %mul3A_296 = arith.mulf %bitcast3A_289, %bitcast3A_294 : vector<16xf32>
            %add3A_297 = arith.addf %add3A_257, %mul3A_296 : vector<16xf32>
            %mul3A_298 = arith.mulf %bitcast3A_290, %bitcast3A_295 : vector<16xf32>
            %add3A_299 = arith.addf %add3A_259, %mul3A_298 : vector<16xf32>
            %get3A_300 = arith.index_cast %while3A_159 : i32 to index
            %get3A_301 = arith.constant 112 : index
            %get3A_302 = tpu.vector_load %arg9[%get3A_300, %get3A_301] {strides = array<i32>} : memref<64x128xi32, #tpu.memory_space<vmem>>, vector<16xi32>,
            %get3A_303 = arith.index_cast %while3A_159 : i32 to index
            %get3A_304 = arith.constant 112 : index
            %get3A_305 = tpu.vector_load %arg11[%get3A_303, %get3A_304] {strides = array<i32>} : memref<64x128xi32, #tpu.memory_space<vmem>>, vector<16xi32>,
            %shift_left3A_306 = arith.constant 16 : i32
            %shift_left3A_307 = vector.broadcast %shift_left3A_306 : i32 to vector<16xi32>
            %shift_left3A_308 = arith.shli %get3A_302, %shift_left3A_307 : vector<16xi32>
            %bitcast3A_309 = vector.bitcast %shift_left3A_308 : vector<16xi32> to vector<16xf32>
            %bitcast3A_310 = vector.bitcast %get3A_302 : vector<16xi32> to vector<16xf32>
            %shift_left3A_311 = arith.constant 16 : i32
            %shift_left3A_312 = vector.broadcast %shift_left3A_311 : i32 to vector<16xi32>
            %shift_left3A_313 = arith.shli %get3A_305, %shift_left3A_312 : vector<16xi32>
            %bitcast3A_314 = vector.bitcast %shift_left3A_313 : vector<16xi32> to vector<16xf32>
            %bitcast3A_315 = vector.bitcast %get3A_305 : vector<16xi32> to vector<16xf32>
            %mul3A_316 = arith.mulf %bitcast3A_309, %bitcast3A_314 : vector<16xf32>
            %add3A_317 = arith.addf %add3A_277, %mul3A_316 : vector<16xf32>
            %mul3A_318 = arith.mulf %bitcast3A_310, %bitcast3A_315 : vector<16xf32>
            %add3A_319 = arith.addf %add3A_279, %mul3A_318 : vector<16xf32>
            %add3A_320 = arith.addf %add3A_297, %add3A_299 : vector<16xf32>
            %add3A_321 = arith.addf %add3A_317, %add3A_319 : vector<16xf32>
            %add3A_322 = arith.addf %add3A_320, %add3A_321 : vector<16xf32>
            %reduce_sum3A = arith.constant true
            %reduce_sum3A_323 = vector.broadcast %reduce_sum3A : i1 to vector<16xi1>
            %reduce_sum3A_324 = tpu.scan <sum>, %add3A_322 masked %reduce_sum3A_323 : vector<16xf32>, vector<16xi1> -> vector<16xf32>
            %reduce_sum3A_325 = vector.extract %reduce_sum3A_324[15] : f32 from vector<16xf32>
            %and3A = arith.constant 15 : i32
            %and3A_326 = arith.andi %while3A_159, %and3A : i32
            %eq3A_327 = vector.broadcast %and3A_326 : i32 to vector<16xi32>
            %eq3A_328 = arith.cmpi eq, %iota3A, %eq3A_327 : vector<16xi32>
            %broadcast_in_dim3A_329 = vector.broadcast %reduce_sum3A_325 : f32 to vector<16xf32>
            %select_n3A = arith.select %eq3A_328, %broadcast_in_dim3A_329, %while3A_160 : vector<16xi1>, vector<16xf32>
            scf.yield %select_n3A : vector<16xf32>
          }
          %while3A_156 = arith.constant 1 : i32
          %while3A_157 = scf.for %while3A_159 = %while3A_153 to %while3A_149 step %while3A_156 iter_args(%while3A_160 = %while3A_155) -> (vector<16xf32>)  : i32 {
            %broadcast_in_dim3A_161 = arith.constant 0.000000e+00 : f32
            %broadcast_in_dim3A_162 = vector.broadcast %broadcast_in_dim3A_161 : f32 to vector<16xf32>
            %get3A = arith.index_cast %while3A_159 : i32 to index
            %get3A_163 = arith.constant 0 : index
            %get3A_164 = tpu.vector_load %arg9[%get3A, %get3A_163] {strides = array<i32>} : memref<64x128xi32, #tpu.memory_space<vmem>>, vector<16xi32>,
            %get3A_165 = arith.index_cast %while3A_159 : i32 to index
            %get3A_166 = arith.constant 0 : index
            %get3A_167 = tpu.vector_load %arg11[%get3A_165, %get3A_166] {strides = array<i32>} : memref<64x128xi32, #tpu.memory_space<vmem>>, vector<16xi32>,
            %shift_left3A = arith.constant 16 : i32
            %shift_left3A_168 = vector.broadcast %shift_left3A : i32 to vector<16xi32>
            %shift_left3A_169 = arith.shli %get3A_164, %shift_left3A_168 : vector<16xi32>
            %bitcast3A = vector.bitcast %shift_left3A_169 : vector<16xi32> to vector<16xf32>
            %bitcast3A_170 = vector.bitcast %get3A_164 : vector<16xi32> to vector<16xf32>
            %shift_left3A_171 = arith.constant 16 : i32
            %shift_left3A_172 = vector.broadcast %shift_left3A_171 : i32 to vector<16xi32>
            %shift_left3A_173 = arith.shli %get3A_167, %shift_left3A_172 : vector<16xi32>
            %bitcast3A_174 = vector.bitcast %shift_left3A_173 : vector<16xi32> to vector<16xf32>
            %bitcast3A_175 = vector.bitcast %get3A_167 : vector<16xi32> to vector<16xf32>
            %mul3A_176 = arith.mulf %bitcast3A, %bitcast3A_174 : vector<16xf32>
            %add3A_177 = arith.addf %broadcast_in_dim3A_162, %mul3A_176 : vector<16xf32>
            %mul3A_178 = arith.mulf %bitcast3A_170, %bitcast3A_175 : vector<16xf32>
            %add3A_179 = arith.addf %broadcast_in_dim3A_162, %mul3A_178 : vector<16xf32>
            %get3A_180 = arith.index_cast %while3A_159 : i32 to index
            %get3A_181 = arith.constant 16 : index
            %get3A_182 = tpu.vector_load %arg9[%get3A_180, %get3A_181] {strides = array<i32>} : memref<64x128xi32, #tpu.memory_space<vmem>>, vector<16xi32>,
            %get3A_183 = arith.index_cast %while3A_159 : i32 to index
            %get3A_184 = arith.constant 16 : index
            %get3A_185 = tpu.vector_load %arg11[%get3A_183, %get3A_184] {strides = array<i32>} : memref<64x128xi32, #tpu.memory_space<vmem>>, vector<16xi32>,
            %shift_left3A_186 = arith.constant 16 : i32
            %shift_left3A_187 = vector.broadcast %shift_left3A_186 : i32 to vector<16xi32>
            %shift_left3A_188 = arith.shli %get3A_182, %shift_left3A_187 : vector<16xi32>
            %bitcast3A_189 = vector.bitcast %shift_left3A_188 : vector<16xi32> to vector<16xf32>
            %bitcast3A_190 = vector.bitcast %get3A_182 : vector<16xi32> to vector<16xf32>
            %shift_left3A_191 = arith.constant 16 : i32
            %shift_left3A_192 = vector.broadcast %shift_left3A_191 : i32 to vector<16xi32>
            %shift_left3A_193 = arith.shli %get3A_185, %shift_left3A_192 : vector<16xi32>
            %bitcast3A_194 = vector.bitcast %shift_left3A_193 : vector<16xi32> to vector<16xf32>
            %bitcast3A_195 = vector.bitcast %get3A_185 : vector<16xi32> to vector<16xf32>
            %mul3A_196 = arith.mulf %bitcast3A_189, %bitcast3A_194 : vector<16xf32>
            %add3A_197 = arith.addf %broadcast_in_dim3A_162, %mul3A_196 : vector<16xf32>
            %mul3A_198 = arith.mulf %bitcast3A_190, %bitcast3A_195 : vector<16xf32>
            %add3A_199 = arith.addf %broadcast_in_dim3A_162, %mul3A_198 : vector<16xf32>
            %get3A_200 = arith.index_cast %while3A_159 : i32 to index
            %get3A_201 = arith.constant 32 : index
            %get3A_202 = tpu.vector_load %arg9[%get3A_200, %get3A_201] {strides = array<i32>} : memref<64x128xi32, #tpu.memory_space<vmem>>, vector<16xi32>,
            %get3A_203 = arith.index_cast %while3A_159 : i32 to index
            %get3A_204 = arith.constant 32 : index
            %get3A_205 = tpu.vector_load %arg11[%get3A_203, %get3A_204] {strides = array<i32>} : memref<64x128xi32, #tpu.memory_space<vmem>>, vector<16xi32>,
            %shift_left3A_206 = arith.constant 16 : i32
            %shift_left3A_207 = vector.broadcast %shift_left3A_206 : i32 to vector<16xi32>
            %shift_left3A_208 = arith.shli %get3A_202, %shift_left3A_207 : vector<16xi32>
            %bitcast3A_209 = vector.bitcast %shift_left3A_208 : vector<16xi32> to vector<16xf32>
            %bitcast3A_210 = vector.bitcast %get3A_202 : vector<16xi32> to vector<16xf32>
            %shift_left3A_211 = arith.constant 16 : i32
            %shift_left3A_212 = vector.broadcast %shift_left3A_211 : i32 to vector<16xi32>
            %shift_left3A_213 = arith.shli %get3A_205, %shift_left3A_212 : vector<16xi32>
            %bitcast3A_214 = vector.bitcast %shift_left3A_213 : vector<16xi32> to vector<16xf32>
            %bitcast3A_215 = vector.bitcast %get3A_205 : vector<16xi32> to vector<16xf32>
            %mul3A_216 = arith.mulf %bitcast3A_209, %bitcast3A_214 : vector<16xf32>
            %add3A_217 = arith.addf %add3A_177, %mul3A_216 : vector<16xf32>
            %mul3A_218 = arith.mulf %bitcast3A_210, %bitcast3A_215 : vector<16xf32>
            %add3A_219 = arith.addf %add3A_179, %mul3A_218 : vector<16xf32>
            %get3A_220 = arith.index_cast %while3A_159 : i32 to index
            %get3A_221 = arith.constant 48 : index
            %get3A_222 = tpu.vector_load %arg9[%get3A_220, %get3A_221] {strides = array<i32>} : memref<64x128xi32, #tpu.memory_space<vmem>>, vector<16xi32>,
            %get3A_223 = arith.index_cast %while3A_159 : i32 to index
            %get3A_224 = arith.constant 48 : index
            %get3A_225 = tpu.vector_load %arg11[%get3A_223, %get3A_224] {strides = array<i32>} : memref<64x128xi32, #tpu.memory_space<vmem>>, vector<16xi32>,
            %shift_left3A_226 = arith.constant 16 : i32
            %shift_left3A_227 = vector.broadcast %shift_left3A_226 : i32 to vector<16xi32>
            %shift_left3A_228 = arith.shli %get3A_222, %shift_left3A_227 : vector<16xi32>
            %bitcast3A_229 = vector.bitcast %shift_left3A_228 : vector<16xi32> to vector<16xf32>
            %bitcast3A_230 = vector.bitcast %get3A_222 : vector<16xi32> to vector<16xf32>
            %shift_left3A_231 = arith.constant 16 : i32
            %shift_left3A_232 = vector.broadcast %shift_left3A_231 : i32 to vector<16xi32>
            %shift_left3A_233 = arith.shli %get3A_225, %shift_left3A_232 : vector<16xi32>
            %bitcast3A_234 = vector.bitcast %shift_left3A_233 : vector<16xi32> to vector<16xf32>
            %bitcast3A_235 = vector.bitcast %get3A_225 : vector<16xi32> to vector<16xf32>
            %mul3A_236 = arith.mulf %bitcast3A_229, %bitcast3A_234 : vector<16xf32>
            %add3A_237 = arith.addf %add3A_197, %mul3A_236 : vector<16xf32>
            %mul3A_238 = arith.mulf %bitcast3A_230, %bitcast3A_235 : vector<16xf32>
            %add3A_239 = arith.addf %add3A_199, %mul3A_238 : vector<16xf32>
            %get3A_240 = arith.index_cast %while3A_159 : i32 to index
            %get3A_241 = arith.constant 64 : index
            %get3A_242 = tpu.vector_load %arg9[%get3A_240, %get3A_241] {strides = array<i32>} : memref<64x128xi32, #tpu.memory_space<vmem>>, vector<16xi32>,
            %get3A_243 = arith.index_cast %while3A_159 : i32 to index
            %get3A_244 = arith.constant 64 : index
            %get3A_245 = tpu.vector_load %arg11[%get3A_243, %get3A_244] {strides = array<i32>} : memref<64x128xi32, #tpu.memory_space<vmem>>, vector<16xi32>,
            %shift_left3A_246 = arith.constant 16 : i32
            %shift_left3A_247 = vector.broadcast %shift_left3A_246 : i32 to vector<16xi32>
            %shift_left3A_248 = arith.shli %get3A_242, %shift_left3A_247 : vector<16xi32>
            %bitcast3A_249 = vector.bitcast %shift_left3A_248 : vector<16xi32> to vector<16xf32>
            %bitcast3A_250 = vector.bitcast %get3A_242 : vector<16xi32> to vector<16xf32>
            %shift_left3A_251 = arith.constant 16 : i32
            %shift_left3A_252 = vector.broadcast %shift_left3A_251 : i32 to vector<16xi32>
            %shift_left3A_253 = arith.shli %get3A_245, %shift_left3A_252 : vector<16xi32>
            %bitcast3A_254 = vector.bitcast %shift_left3A_253 : vector<16xi32> to vector<16xf32>
            %bitcast3A_255 = vector.bitcast %get3A_245 : vector<16xi32> to vector<16xf32>
            %mul3A_256 = arith.mulf %bitcast3A_249, %bitcast3A_254 : vector<16xf32>
            %add3A_257 = arith.addf %add3A_217, %mul3A_256 : vector<16xf32>
            %mul3A_258 = arith.mulf %bitcast3A_250, %bitcast3A_255 : vector<16xf32>
            %add3A_259 = arith.addf %add3A_219, %mul3A_258 : vector<16xf32>
            %get3A_260 = arith.index_cast %while3A_159 : i32 to index
            %get3A_261 = arith.constant 80 : index
            %get3A_262 = tpu.vector_load %arg9[%get3A_260, %get3A_261] {strides = array<i32>} : memref<64x128xi32, #tpu.memory_space<vmem>>, vector<16xi32>,
            %get3A_263 = arith.index_cast %while3A_159 : i32 to index
            %get3A_264 = arith.constant 80 : index
            %get3A_265 = tpu.vector_load %arg11[%get3A_263, %get3A_264] {strides = array<i32>} : memref<64x128xi32, #tpu.memory_space<vmem>>, vector<16xi32>,
            %shift_left3A_266 = arith.constant 16 : i32
            %shift_left3A_267 = vector.broadcast %shift_left3A_266 : i32 to vector<16xi32>
            %shift_left3A_268 = arith.shli %get3A_262, %shift_left3A_267 : vector<16xi32>
            %bitcast3A_269 = vector.bitcast %shift_left3A_268 : vector<16xi32> to vector<16xf32>
            %bitcast3A_270 = vector.bitcast %get3A_262 : vector<16xi32> to vector<16xf32>
            %shift_left3A_271 = arith.constant 16 : i32
            %shift_left3A_272 = vector.broadcast %shift_left3A_271 : i32 to vector<16xi32>
            %shift_left3A_273 = arith.shli %get3A_265, %shift_left3A_272 : vector<16xi32>
            %bitcast3A_274 = vector.bitcast %shift_left3A_273 : vector<16xi32> to vector<16xf32>
            %bitcast3A_275 = vector.bitcast %get3A_265 : vector<16xi32> to vector<16xf32>
            %mul3A_276 = arith.mulf %bitcast3A_269, %bitcast3A_274 : vector<16xf32>
            %add3A_277 = arith.addf %add3A_237, %mul3A_276 : vector<16xf32>
            %mul3A_278 = arith.mulf %bitcast3A_270, %bitcast3A_275 : vector<16xf32>
            %add3A_279 = arith.addf %add3A_239, %mul3A_278 : vector<16xf32>
            %get3A_280 = arith.index_cast %while3A_159 : i32 to index
            %get3A_281 = arith.constant 96 : index
            %get3A_282 = tpu.vector_load %arg9[%get3A_280, %get3A_281] {strides = array<i32>} : memref<64x128xi32, #tpu.memory_space<vmem>>, vector<16xi32>,
            %get3A_283 = arith.index_cast %while3A_159 : i32 to index
            %get3A_284 = arith.constant 96 : index
            %get3A_285 = tpu.vector_load %arg11[%get3A_283, %get3A_284] {strides = array<i32>} : memref<64x128xi32, #tpu.memory_space<vmem>>, vector<16xi32>,
            %shift_left3A_286 = arith.constant 16 : i32
            %shift_left3A_287 = vector.broadcast %shift_left3A_286 : i32 to vector<16xi32>
            %shift_left3A_288 = arith.shli %get3A_282, %shift_left3A_287 : vector<16xi32>
            %bitcast3A_289 = vector.bitcast %shift_left3A_288 : vector<16xi32> to vector<16xf32>
            %bitcast3A_290 = vector.bitcast %get3A_282 : vector<16xi32> to vector<16xf32>
            %shift_left3A_291 = arith.constant 16 : i32
            %shift_left3A_292 = vector.broadcast %shift_left3A_291 : i32 to vector<16xi32>
            %shift_left3A_293 = arith.shli %get3A_285, %shift_left3A_292 : vector<16xi32>
            %bitcast3A_294 = vector.bitcast %shift_left3A_293 : vector<16xi32> to vector<16xf32>
            %bitcast3A_295 = vector.bitcast %get3A_285 : vector<16xi32> to vector<16xf32>
            %mul3A_296 = arith.mulf %bitcast3A_289, %bitcast3A_294 : vector<16xf32>
            %add3A_297 = arith.addf %add3A_257, %mul3A_296 : vector<16xf32>
            %mul3A_298 = arith.mulf %bitcast3A_290, %bitcast3A_295 : vector<16xf32>
            %add3A_299 = arith.addf %add3A_259, %mul3A_298 : vector<16xf32>
            %get3A_300 = arith.index_cast %while3A_159 : i32 to index
            %get3A_301 = arith.constant 112 : index
            %get3A_302 = tpu.vector_load %arg9[%get3A_300, %get3A_301] {strides = array<i32>} : memref<64x128xi32, #tpu.memory_space<vmem>>, vector<16xi32>,
            %get3A_303 = arith.index_cast %while3A_159 : i32 to index
            %get3A_304 = arith.constant 112 : index
            %get3A_305 = tpu.vector_load %arg11[%get3A_303, %get3A_304] {strides = array<i32>} : memref<64x128xi32, #tpu.memory_space<vmem>>, vector<16xi32>,
            %shift_left3A_306 = arith.constant 16 : i32
            %shift_left3A_307 = vector.broadcast %shift_left3A_306 : i32 to vector<16xi32>
            %shift_left3A_308 = arith.shli %get3A_302, %shift_left3A_307 : vector<16xi32>
            %bitcast3A_309 = vector.bitcast %shift_left3A_308 : vector<16xi32> to vector<16xf32>
            %bitcast3A_310 = vector.bitcast %get3A_302 : vector<16xi32> to vector<16xf32>
            %shift_left3A_311 = arith.constant 16 : i32
            %shift_left3A_312 = vector.broadcast %shift_left3A_311 : i32 to vector<16xi32>
            %shift_left3A_313 = arith.shli %get3A_305, %shift_left3A_312 : vector<16xi32>
            %bitcast3A_314 = vector.bitcast %shift_left3A_313 : vector<16xi32> to vector<16xf32>
            %bitcast3A_315 = vector.bitcast %get3A_305 : vector<16xi32> to vector<16xf32>
            %mul3A_316 = arith.mulf %bitcast3A_309, %bitcast3A_314 : vector<16xf32>
            %add3A_317 = arith.addf %add3A_277, %mul3A_316 : vector<16xf32>
            %mul3A_318 = arith.mulf %bitcast3A_310, %bitcast3A_315 : vector<16xf32>
            %add3A_319 = arith.addf %add3A_279, %mul3A_318 : vector<16xf32>
            %add3A_320 = arith.addf %add3A_297, %add3A_299 : vector<16xf32>
            %add3A_321 = arith.addf %add3A_317, %add3A_319 : vector<16xf32>
            %add3A_322 = arith.addf %add3A_320, %add3A_321 : vector<16xf32>
            %reduce_sum3A = arith.constant true
            %reduce_sum3A_323 = vector.broadcast %reduce_sum3A : i1 to vector<16xi1>
            %reduce_sum3A_324 = tpu.scan <sum>, %add3A_322 masked %reduce_sum3A_323 : vector<16xf32>, vector<16xi1> -> vector<16xf32>
            %reduce_sum3A_325 = vector.extract %reduce_sum3A_324[15] : f32 from vector<16xf32>
            %and3A = arith.constant 15 : i32
            %and3A_326 = arith.andi %while3A_159, %and3A : i32
            %eq3A_327 = vector.broadcast %and3A_326 : i32 to vector<16xi32>
            %eq3A_328 = arith.cmpi eq, %iota3A, %eq3A_327 : vector<16xi32>
            %broadcast_in_dim3A_329 = vector.broadcast %reduce_sum3A_325 : f32 to vector<16xf32>
            %select_n3A = arith.select %eq3A_328, %broadcast_in_dim3A_329, %while3A_160 : vector<16xi1>, vector<16xf32>
            scf.yield %select_n3A : vector<16xf32>
          }
          %swap3A = arith.index_cast %mul3A_145 : i32 to index
          %swap3A_158 = tpu.vector_load %arg13[%swap3A] {strides = array<i32>} : memref<64xf32, #tpu.memory_space<vmem>>, vector<16xf32>,
          tpu.vector_store %arg13[%swap3A], %while3A_157 {strides = array<i32>} : memref<64xf32, #tpu.memory_space<vmem>>, vector<16xf32>,
        }
        %scan3A_134 = arith.constant 4 : i32
        %mul3A_135 = arith.constant 64 : i32
        %mul3A_136 = arith.muli %add3A_87, %mul3A_135 : i32
        %min3A_137 = arith.constant 4936 : i32
        %min3A_138 = arith.minsi %mul3A_136, %min3A_137 : i32
        %multiple_of3A_139 = tpu.assume_multiple %min3A_138, 8 : i32
        %add3A_140 = arith.addi %multiple_of3A, %multiple_of3A_139 : i32
        %dma_start3A_141 = tpu.memref_slice %arg5[%add3A_140] : memref<160000xf32, #tpu.memory_space<hbm>> -> memref<64xf32, #tpu.memory_space<hbm>>
        %dma_start3A_142 = tpu.memref_slice %arg5[%add3A_140] : memref<160000xf32, #tpu.memory_space<hbm>> -> memref<64xf32, #tpu.memory_space<hbm>>
        tpu.enqueue_dma source(%arg13 : memref<64xf32, #tpu.memory_space<vmem>>) target(%dma_start3A_142 : memref<64xf32, #tpu.memory_space<hbm>>) target_semaphore(%arg17 : memref<!tpu.dma_semaphore, #tpu.memory_space<semaphore_mem>>)
      } else {
      }
      %add3A_92 = arith.constant 2 : i32
      %add3A_93 = arith.addi %add3A_87, %add3A_92 : i32
      %lt3A_94 = arith.constant 79 : i32
      %lt3A_95 = arith.cmpi slt, %add3A_93, %lt3A_94 : i32
      %convert_element_type3A_96 = arith.extui %lt3A_95 : i1 to i32
      %cond3A_97 = arith.constant 0 : i32
      %cond3A_98 = arith.cmpi ne, %convert_element_type3A_96, %cond3A_97 : i32
      scf.if %cond3A_98 {
        %add3A_115 = arith.constant 2 : i32
        %add3A_116 = arith.addi %add3A_87, %add3A_115 : i32
        %mul3A_117 = arith.constant 64 : i32
        %mul3A_118 = arith.muli %add3A_116, %mul3A_117 : i32
        %min3A_119 = arith.constant 4936 : i32
        %min3A_120 = arith.minsi %mul3A_118, %min3A_119 : i32
        %multiple_of3A_121 = tpu.assume_multiple %min3A_120, 8 : i32
        %dma_start3A_122 = arith.constant 0 : i32
        %dma_start3A_123 = arith.constant 0 : i32
        %dma_start3A_124 = tpu.memref_slice %arg9[%dma_start3A_122, %dma_start3A_123] : memref<64x128xi32, #tpu.memory_space<vmem>> -> memref<32x128xi32, #tpu.memory_space<vmem>>
        %dma_start3A_125 = tpu.memref_slice %arg7[%multiple_of3A_121] : memref<5000xi32, #tpu.memory_space<vmem>> -> memref<32xi32, #tpu.memory_space<vmem>>
        %dma_start3A_126 = arith.constant 0 : i32
        %dma_start3A_127 = arith.constant 0 : i32
        %dma_start3A_128 = tpu.memref_slice %arg6[%dma_start3A_126, %dma_start3A_127] : memref<10000x128xi32, #tpu.memory_space<vmem_shared>> -> memref<10000x128xi32, #tpu.memory_space<vmem_shared>>
        tpu.enqueue_indirect_dma source(%dma_start3A_128 : memref<10000x128xi32, #tpu.memory_space<vmem_shared>>) target(%dma_start3A_124 : memref<32x128xi32, #tpu.memory_space<vmem>>) offsets(%dma_start3A_125 : memref<32xi32, #tpu.memory_space<vmem>>) semaphore(%arg15 : memref<!tpu.dma_semaphore, #tpu.memory_space<semaphore_mem>>)
        %add3A_129 = arith.constant 32 : i32
        %add3A_130 = arith.addi %multiple_of3A_121, %add3A_129 : i32
        %dma_start3A_131 = arith.constant 32 : i32
        %dma_start3A_132 = arith.constant 0 : i32
        %dma_start3A_133 = tpu.memref_slice %arg9[%dma_start3A_131, %dma_start3A_132] : memref<64x128xi32, #tpu.memory_space<vmem>> -> memref<32x128xi32, #tpu.memory_space<vmem>>
        %dma_start3A_134 = tpu.memref_slice %arg7[%add3A_130] : memref<5000xi32, #tpu.memory_space<vmem>> -> memref<32xi32, #tpu.memory_space<vmem>>
        %dma_start3A_135 = arith.constant 0 : i32
        %dma_start3A_136 = arith.constant 0 : i32
        %dma_start3A_137 = tpu.memref_slice %arg6[%dma_start3A_135, %dma_start3A_136] : memref<10000x128xi32, #tpu.memory_space<vmem_shared>> -> memref<10000x128xi32, #tpu.memory_space<vmem_shared>>
        tpu.enqueue_indirect_dma source(%dma_start3A_137 : memref<10000x128xi32, #tpu.memory_space<vmem_shared>>) target(%dma_start3A_133 : memref<32x128xi32, #tpu.memory_space<vmem>>) offsets(%dma_start3A_134 : memref<32xi32, #tpu.memory_space<vmem>>) semaphore(%arg15 : memref<!tpu.dma_semaphore, #tpu.memory_space<semaphore_mem>>)
        %dma_start3A_138 = arith.constant 0 : i32
        %dma_start3A_139 = arith.constant 0 : i32
        %dma_start3A_140 = tpu.memref_slice %arg11[%dma_start3A_138, %dma_start3A_139] : memref<64x128xi32, #tpu.memory_space<vmem>> -> memref<32x128xi32, #tpu.memory_space<vmem>>
        %dma_start3A_141 = tpu.memref_slice %arg8[%multiple_of3A_121] : memref<5000xi32, #tpu.memory_space<vmem>> -> memref<32xi32, #tpu.memory_space<vmem>>
        %dma_start3A_142 = arith.constant 0 : i32
        %dma_start3A_143 = arith.constant 0 : i32
        %dma_start3A_144 = tpu.memref_slice %arg6[%dma_start3A_142, %dma_start3A_143] : memref<10000x128xi32, #tpu.memory_space<vmem_shared>> -> memref<10000x128xi32, #tpu.memory_space<vmem_shared>>
        tpu.enqueue_indirect_dma source(%dma_start3A_144 : memref<10000x128xi32, #tpu.memory_space<vmem_shared>>) target(%dma_start3A_140 : memref<32x128xi32, #tpu.memory_space<vmem>>) offsets(%dma_start3A_141 : memref<32xi32, #tpu.memory_space<vmem>>) semaphore(%arg15 : memref<!tpu.dma_semaphore, #tpu.memory_space<semaphore_mem>>)
        %add3A_145 = arith.constant 32 : i32
        %add3A_146 = arith.addi %multiple_of3A_121, %add3A_145 : i32
        %dma_start3A_147 = arith.constant 32 : i32
        %dma_start3A_148 = arith.constant 0 : i32
        %dma_start3A_149 = tpu.memref_slice %arg11[%dma_start3A_147, %dma_start3A_148] : memref<64x128xi32, #tpu.memory_space<vmem>> -> memref<32x128xi32, #tpu.memory_space<vmem>>
        %dma_start3A_150 = tpu.memref_slice %arg8[%add3A_146] : memref<5000xi32, #tpu.memory_space<vmem>> -> memref<32xi32, #tpu.memory_space<vmem>>
        %dma_start3A_151 = arith.constant 0 : i32
        %dma_start3A_152 = arith.constant 0 : i32
        %dma_start3A_153 = tpu.memref_slice %arg6[%dma_start3A_151, %dma_start3A_152] : memref<10000x128xi32, #tpu.memory_space<vmem_shared>> -> memref<10000x128xi32, #tpu.memory_space<vmem_shared>>
        tpu.enqueue_indirect_dma source(%dma_start3A_153 : memref<10000x128xi32, #tpu.memory_space<vmem_shared>>) target(%dma_start3A_149 : memref<32x128xi32, #tpu.memory_space<vmem>>) offsets(%dma_start3A_150 : memref<32xi32, #tpu.memory_space<vmem>>) semaphore(%arg15 : memref<!tpu.dma_semaphore, #tpu.memory_space<semaphore_mem>>)
      } else {
      }
      %mul3A_99 = arith.constant 2 : i32
      %mul3A_100 = arith.muli %mul3A_99, %scan3A_83 : i32
      %add3A_101 = arith.constant 1 : i32
      %add3A_102 = arith.addi %mul3A_100, %add3A_101 : i32
      %lt3A_103 = arith.constant 79 : i32
      %lt3A_104 = arith.cmpi slt, %add3A_102, %lt3A_103 : i32
      %convert_element_type3A_105 = arith.extui %lt3A_104 : i1 to i32
      %cond3A_106 = arith.constant 0 : i32
      %cond3A_107 = arith.cmpi ne, %convert_element_type3A_105, %cond3A_106 : i32
      scf.if %cond3A_107 {
        %dma_wait3A_115 = arith.constant 0 : i32
        %dma_wait3A_116 = tpu.memref_slice %arg7[%dma_wait3A_115] : memref<5000xi32, #tpu.memory_space<vmem>> -> memref<64xi32, #tpu.memory_space<vmem>>
        %dma_wait3A_117 = arith.constant 0 : i32
        %dma_wait3A_118 = arith.constant 0 : i32
        %dma_wait3A_119 = tpu.memref_slice %arg6[%dma_wait3A_117, %dma_wait3A_118] : memref<10000x128xi32, #tpu.memory_space<vmem_shared>> -> memref<10000x128xi32, #tpu.memory_space<vmem_shared>>
        tpu.wait_indirect_dma semaphore(%arg16 : memref<!tpu.dma_semaphore, #tpu.memory_space<semaphore_mem>>) src(%dma_wait3A_119 : memref<10000x128xi32, #tpu.memory_space<vmem_shared>>) dst(%arg10 : memref<64x128xi32, #tpu.memory_space<vmem>>)
        %dma_wait3A_120 = arith.constant 0 : i32
        %dma_wait3A_121 = tpu.memref_slice %arg8[%dma_wait3A_120] : memref<5000xi32, #tpu.memory_space<vmem>> -> memref<64xi32, #tpu.memory_space<vmem>>
        %dma_wait3A_122 = arith.constant 0 : i32
        %dma_wait3A_123 = arith.constant 0 : i32
        %dma_wait3A_124 = tpu.memref_slice %arg6[%dma_wait3A_122, %dma_wait3A_123] : memref<10000x128xi32, #tpu.memory_space<vmem_shared>> -> memref<10000x128xi32, #tpu.memory_space<vmem_shared>>
        tpu.wait_indirect_dma semaphore(%arg16 : memref<!tpu.dma_semaphore, #tpu.memory_space<semaphore_mem>>) src(%dma_wait3A_124 : memref<10000x128xi32, #tpu.memory_space<vmem_shared>>) dst(%arg12 : memref<64x128xi32, #tpu.memory_space<vmem>>)
        %ge3A = arith.constant 2 : i32
        %ge3A_125 = arith.cmpi sge, %add3A_102, %ge3A : i32
        %convert_element_type3A_126 = arith.extui %ge3A_125 : i1 to i32
        %cond3A_127 = arith.constant 0 : i32
        %cond3A_128 = arith.cmpi ne, %convert_element_type3A_126, %cond3A_127 : i32
        scf.if %cond3A_128 {
          %dma_wait3A_143 = tpu.memref_slice %arg5[%multiple_of3A] : memref<160000xf32, #tpu.memory_space<hbm>> -> memref<64xf32, #tpu.memory_space<hbm>>
          %dma_wait3A_144 = tpu.memref_slice %arg5[%multiple_of3A] : memref<160000xf32, #tpu.memory_space<hbm>> -> memref<64xf32, #tpu.memory_space<hbm>>
          tpu.wait_dma2 semaphore(%arg18 : memref<!tpu.dma_semaphore, #tpu.memory_space<semaphore_mem>>) src(%arg14 : memref<64xf32, #tpu.memory_space<vmem>>) dst(%dma_wait3A_144 : memref<64xf32, #tpu.memory_space<hbm>>)
        } else {
        }
        %scan3A_129 = arith.constant 0 : i32
        %scan3A_130 = arith.constant 0 : i32
        %scan3A_131 = arith.constant 4 : i32
        %scan3A_132 = arith.addi %scan3A_130, %scan3A_131 : i32
        %scan3A_133 = arith.constant 1 : i32
        scf.for %scan3A_143 = %scan3A_130 to %scan3A_132 step %scan3A_133  : i32 {
          %mul3A_144 = arith.constant 16 : i32
          %mul3A_145 = arith.muli %scan3A_143, %mul3A_144 : i32
          %add3A_146 = arith.constant 16 : i32
          %add3A_147 = arith.addi %mul3A_145, %add3A_146 : i32
          %broadcast_in_dim3A = arith.constant 0.000000e+00 : f32
          %broadcast_in_dim3A_148 = vector.broadcast %broadcast_in_dim3A : f32 to vector<16xf32>
          %while3A = arith.subi %add3A_147, %mul3A_145 : i32
          %while3A_149 = arith.addi %mul3A_145, %while3A : i32
          %while3A_150 = arith.constant 1 : i32
          %while3A_151 = arith.divsi %while3A, %while3A_150 : i32
          %while3A_152 = arith.muli %while3A_151, %while3A_150 : i32
          %while3A_153 = arith.addi %mul3A_145, %while3A_152 : i32
          %while3A_154 = arith.constant 1 : i32
          %while3A_155 = scf.for %while3A_159 = %mul3A_145 to %while3A_153 step %while3A_154 iter_args(%while3A_160 = %broadcast_in_dim3A_148) -> (vector<16xf32>)  : i32 {
            %broadcast_in_dim3A_161 = arith.constant 0.000000e+00 : f32
            %broadcast_in_dim3A_162 = vector.broadcast %broadcast_in_dim3A_161 : f32 to vector<16xf32>
            %get3A = arith.index_cast %while3A_159 : i32 to index
            %get3A_163 = arith.constant 0 : index
            %get3A_164 = tpu.vector_load %arg10[%get3A, %get3A_163] {strides = array<i32>} : memref<64x128xi32, #tpu.memory_space<vmem>>, vector<16xi32>,
            %get3A_165 = arith.index_cast %while3A_159 : i32 to index
            %get3A_166 = arith.constant 0 : index
            %get3A_167 = tpu.vector_load %arg12[%get3A_165, %get3A_166] {strides = array<i32>} : memref<64x128xi32, #tpu.memory_space<vmem>>, vector<16xi32>,
            %shift_left3A = arith.constant 16 : i32
            %shift_left3A_168 = vector.broadcast %shift_left3A : i32 to vector<16xi32>
            %shift_left3A_169 = arith.shli %get3A_164, %shift_left3A_168 : vector<16xi32>
            %bitcast3A = vector.bitcast %shift_left3A_169 : vector<16xi32> to vector<16xf32>
            %bitcast3A_170 = vector.bitcast %get3A_164 : vector<16xi32> to vector<16xf32>
            %shift_left3A_171 = arith.constant 16 : i32
            %shift_left3A_172 = vector.broadcast %shift_left3A_171 : i32 to vector<16xi32>
            %shift_left3A_173 = arith.shli %get3A_167, %shift_left3A_172 : vector<16xi32>
            %bitcast3A_174 = vector.bitcast %shift_left3A_173 : vector<16xi32> to vector<16xf32>
            %bitcast3A_175 = vector.bitcast %get3A_167 : vector<16xi32> to vector<16xf32>
            %mul3A_176 = arith.mulf %bitcast3A, %bitcast3A_174 : vector<16xf32>
            %add3A_177 = arith.addf %broadcast_in_dim3A_162, %mul3A_176 : vector<16xf32>
            %mul3A_178 = arith.mulf %bitcast3A_170, %bitcast3A_175 : vector<16xf32>
            %add3A_179 = arith.addf %broadcast_in_dim3A_162, %mul3A_178 : vector<16xf32>
            %get3A_180 = arith.index_cast %while3A_159 : i32 to index
            %get3A_181 = arith.constant 16 : index
            %get3A_182 = tpu.vector_load %arg10[%get3A_180, %get3A_181] {strides = array<i32>} : memref<64x128xi32, #tpu.memory_space<vmem>>, vector<16xi32>,
            %get3A_183 = arith.index_cast %while3A_159 : i32 to index
            %get3A_184 = arith.constant 16 : index
            %get3A_185 = tpu.vector_load %arg12[%get3A_183, %get3A_184] {strides = array<i32>} : memref<64x128xi32, #tpu.memory_space<vmem>>, vector<16xi32>,
            %shift_left3A_186 = arith.constant 16 : i32
            %shift_left3A_187 = vector.broadcast %shift_left3A_186 : i32 to vector<16xi32>
            %shift_left3A_188 = arith.shli %get3A_182, %shift_left3A_187 : vector<16xi32>
            %bitcast3A_189 = vector.bitcast %shift_left3A_188 : vector<16xi32> to vector<16xf32>
            %bitcast3A_190 = vector.bitcast %get3A_182 : vector<16xi32> to vector<16xf32>
            %shift_left3A_191 = arith.constant 16 : i32
            %shift_left3A_192 = vector.broadcast %shift_left3A_191 : i32 to vector<16xi32>
            %shift_left3A_193 = arith.shli %get3A_185, %shift_left3A_192 : vector<16xi32>
            %bitcast3A_194 = vector.bitcast %shift_left3A_193 : vector<16xi32> to vector<16xf32>
            %bitcast3A_195 = vector.bitcast %get3A_185 : vector<16xi32> to vector<16xf32>
            %mul3A_196 = arith.mulf %bitcast3A_189, %bitcast3A_194 : vector<16xf32>
            %add3A_197 = arith.addf %broadcast_in_dim3A_162, %mul3A_196 : vector<16xf32>
            %mul3A_198 = arith.mulf %bitcast3A_190, %bitcast3A_195 : vector<16xf32>
            %add3A_199 = arith.addf %broadcast_in_dim3A_162, %mul3A_198 : vector<16xf32>
            %get3A_200 = arith.index_cast %while3A_159 : i32 to index
            %get3A_201 = arith.constant 32 : index
            %get3A_202 = tpu.vector_load %arg10[%get3A_200, %get3A_201] {strides = array<i32>} : memref<64x128xi32, #tpu.memory_space<vmem>>, vector<16xi32>,
            %get3A_203 = arith.index_cast %while3A_159 : i32 to index
            %get3A_204 = arith.constant 32 : index
            %get3A_205 = tpu.vector_load %arg12[%get3A_203, %get3A_204] {strides = array<i32>} : memref<64x128xi32, #tpu.memory_space<vmem>>, vector<16xi32>,
            %shift_left3A_206 = arith.constant 16 : i32
            %shift_left3A_207 = vector.broadcast %shift_left3A_206 : i32 to vector<16xi32>
            %shift_left3A_208 = arith.shli %get3A_202, %shift_left3A_207 : vector<16xi32>
            %bitcast3A_209 = vector.bitcast %shift_left3A_208 : vector<16xi32> to vector<16xf32>
            %bitcast3A_210 = vector.bitcast %get3A_202 : vector<16xi32> to vector<16xf32>
            %shift_left3A_211 = arith.constant 16 : i32
            %shift_left3A_212 = vector.broadcast %shift_left3A_211 : i32 to vector<16xi32>
            %shift_left3A_213 = arith.shli %get3A_205, %shift_left3A_212 : vector<16xi32>
            %bitcast3A_214 = vector.bitcast %shift_left3A_213 : vector<16xi32> to vector<16xf32>
            %bitcast3A_215 = vector.bitcast %get3A_205 : vector<16xi32> to vector<16xf32>
            %mul3A_216 = arith.mulf %bitcast3A_209, %bitcast3A_214 : vector<16xf32>
            %add3A_217 = arith.addf %add3A_177, %mul3A_216 : vector<16xf32>
            %mul3A_218 = arith.mulf %bitcast3A_210, %bitcast3A_215 : vector<16xf32>
            %add3A_219 = arith.addf %add3A_179, %mul3A_218 : vector<16xf32>
            %get3A_220 = arith.index_cast %while3A_159 : i32 to index
            %get3A_221 = arith.constant 48 : index
            %get3A_222 = tpu.vector_load %arg10[%get3A_220, %get3A_221] {strides = array<i32>} : memref<64x128xi32, #tpu.memory_space<vmem>>, vector<16xi32>,
            %get3A_223 = arith.index_cast %while3A_159 : i32 to index
            %get3A_224 = arith.constant 48 : index
            %get3A_225 = tpu.vector_load %arg12[%get3A_223, %get3A_224] {strides = array<i32>} : memref<64x128xi32, #tpu.memory_space<vmem>>, vector<16xi32>,
            %shift_left3A_226 = arith.constant 16 : i32
            %shift_left3A_227 = vector.broadcast %shift_left3A_226 : i32 to vector<16xi32>
            %shift_left3A_228 = arith.shli %get3A_222, %shift_left3A_227 : vector<16xi32>
            %bitcast3A_229 = vector.bitcast %shift_left3A_228 : vector<16xi32> to vector<16xf32>
            %bitcast3A_230 = vector.bitcast %get3A_222 : vector<16xi32> to vector<16xf32>
            %shift_left3A_231 = arith.constant 16 : i32
            %shift_left3A_232 = vector.broadcast %shift_left3A_231 : i32 to vector<16xi32>
            %shift_left3A_233 = arith.shli %get3A_225, %shift_left3A_232 : vector<16xi32>
            %bitcast3A_234 = vector.bitcast %shift_left3A_233 : vector<16xi32> to vector<16xf32>
            %bitcast3A_235 = vector.bitcast %get3A_225 : vector<16xi32> to vector<16xf32>
            %mul3A_236 = arith.mulf %bitcast3A_229, %bitcast3A_234 : vector<16xf32>
            %add3A_237 = arith.addf %add3A_197, %mul3A_236 : vector<16xf32>
            %mul3A_238 = arith.mulf %bitcast3A_230, %bitcast3A_235 : vector<16xf32>
            %add3A_239 = arith.addf %add3A_199, %mul3A_238 : vector<16xf32>
            %get3A_240 = arith.index_cast %while3A_159 : i32 to index
            %get3A_241 = arith.constant 64 : index
            %get3A_242 = tpu.vector_load %arg10[%get3A_240, %get3A_241] {strides = array<i32>} : memref<64x128xi32, #tpu.memory_space<vmem>>, vector<16xi32>,
            %get3A_243 = arith.index_cast %while3A_159 : i32 to index
            %get3A_244 = arith.constant 64 : index
            %get3A_245 = tpu.vector_load %arg12[%get3A_243, %get3A_244] {strides = array<i32>} : memref<64x128xi32, #tpu.memory_space<vmem>>, vector<16xi32>,
            %shift_left3A_246 = arith.constant 16 : i32
            %shift_left3A_247 = vector.broadcast %shift_left3A_246 : i32 to vector<16xi32>
            %shift_left3A_248 = arith.shli %get3A_242, %shift_left3A_247 : vector<16xi32>
            %bitcast3A_249 = vector.bitcast %shift_left3A_248 : vector<16xi32> to vector<16xf32>
            %bitcast3A_250 = vector.bitcast %get3A_242 : vector<16xi32> to vector<16xf32>
            %shift_left3A_251 = arith.constant 16 : i32
            %shift_left3A_252 = vector.broadcast %shift_left3A_251 : i32 to vector<16xi32>
            %shift_left3A_253 = arith.shli %get3A_245, %shift_left3A_252 : vector<16xi32>
            %bitcast3A_254 = vector.bitcast %shift_left3A_253 : vector<16xi32> to vector<16xf32>
            %bitcast3A_255 = vector.bitcast %get3A_245 : vector<16xi32> to vector<16xf32>
            %mul3A_256 = arith.mulf %bitcast3A_249, %bitcast3A_254 : vector<16xf32>
            %add3A_257 = arith.addf %add3A_217, %mul3A_256 : vector<16xf32>
            %mul3A_258 = arith.mulf %bitcast3A_250, %bitcast3A_255 : vector<16xf32>
            %add3A_259 = arith.addf %add3A_219, %mul3A_258 : vector<16xf32>
            %get3A_260 = arith.index_cast %while3A_159 : i32 to index
            %get3A_261 = arith.constant 80 : index
            %get3A_262 = tpu.vector_load %arg10[%get3A_260, %get3A_261] {strides = array<i32>} : memref<64x128xi32, #tpu.memory_space<vmem>>, vector<16xi32>,
            %get3A_263 = arith.index_cast %while3A_159 : i32 to index
            %get3A_264 = arith.constant 80 : index
            %get3A_265 = tpu.vector_load %arg12[%get3A_263, %get3A_264] {strides = array<i32>} : memref<64x128xi32, #tpu.memory_space<vmem>>, vector<16xi32>,
            %shift_left3A_266 = arith.constant 16 : i32
            %shift_left3A_267 = vector.broadcast %shift_left3A_266 : i32 to vector<16xi32>
            %shift_left3A_268 = arith.shli %get3A_262, %shift_left3A_267 : vector<16xi32>
            %bitcast3A_269 = vector.bitcast %shift_left3A_268 : vector<16xi32> to vector<16xf32>
            %bitcast3A_270 = vector.bitcast %get3A_262 : vector<16xi32> to vector<16xf32>
            %shift_left3A_271 = arith.constant 16 : i32
            %shift_left3A_272 = vector.broadcast %shift_left3A_271 : i32 to vector<16xi32>
            %shift_left3A_273 = arith.shli %get3A_265, %shift_left3A_272 : vector<16xi32>
            %bitcast3A_274 = vector.bitcast %shift_left3A_273 : vector<16xi32> to vector<16xf32>
            %bitcast3A_275 = vector.bitcast %get3A_265 : vector<16xi32> to vector<16xf32>
            %mul3A_276 = arith.mulf %bitcast3A_269, %bitcast3A_274 : vector<16xf32>
            %add3A_277 = arith.addf %add3A_237, %mul3A_276 : vector<16xf32>
            %mul3A_278 = arith.mulf %bitcast3A_270, %bitcast3A_275 : vector<16xf32>
            %add3A_279 = arith.addf %add3A_239, %mul3A_278 : vector<16xf32>
            %get3A_280 = arith.index_cast %while3A_159 : i32 to index
            %get3A_281 = arith.constant 96 : index
            %get3A_282 = tpu.vector_load %arg10[%get3A_280, %get3A_281] {strides = array<i32>} : memref<64x128xi32, #tpu.memory_space<vmem>>, vector<16xi32>,
            %get3A_283 = arith.index_cast %while3A_159 : i32 to index
            %get3A_284 = arith.constant 96 : index
            %get3A_285 = tpu.vector_load %arg12[%get3A_283, %get3A_284] {strides = array<i32>} : memref<64x128xi32, #tpu.memory_space<vmem>>, vector<16xi32>,
            %shift_left3A_286 = arith.constant 16 : i32
            %shift_left3A_287 = vector.broadcast %shift_left3A_286 : i32 to vector<16xi32>
            %shift_left3A_288 = arith.shli %get3A_282, %shift_left3A_287 : vector<16xi32>
            %bitcast3A_289 = vector.bitcast %shift_left3A_288 : vector<16xi32> to vector<16xf32>
            %bitcast3A_290 = vector.bitcast %get3A_282 : vector<16xi32> to vector<16xf32>
            %shift_left3A_291 = arith.constant 16 : i32
            %shift_left3A_292 = vector.broadcast %shift_left3A_291 : i32 to vector<16xi32>
            %shift_left3A_293 = arith.shli %get3A_285, %shift_left3A_292 : vector<16xi32>
            %bitcast3A_294 = vector.bitcast %shift_left3A_293 : vector<16xi32> to vector<16xf32>
            %bitcast3A_295 = vector.bitcast %get3A_285 : vector<16xi32> to vector<16xf32>
            %mul3A_296 = arith.mulf %bitcast3A_289, %bitcast3A_294 : vector<16xf32>
            %add3A_297 = arith.addf %add3A_257, %mul3A_296 : vector<16xf32>
            %mul3A_298 = arith.mulf %bitcast3A_290, %bitcast3A_295 : vector<16xf32>
            %add3A_299 = arith.addf %add3A_259, %mul3A_298 : vector<16xf32>
            %get3A_300 = arith.index_cast %while3A_159 : i32 to index
            %get3A_301 = arith.constant 112 : index
            %get3A_302 = tpu.vector_load %arg10[%get3A_300, %get3A_301] {strides = array<i32>} : memref<64x128xi32, #tpu.memory_space<vmem>>, vector<16xi32>,
            %get3A_303 = arith.index_cast %while3A_159 : i32 to index
            %get3A_304 = arith.constant 112 : index
            %get3A_305 = tpu.vector_load %arg12[%get3A_303, %get3A_304] {strides = array<i32>} : memref<64x128xi32, #tpu.memory_space<vmem>>, vector<16xi32>,
            %shift_left3A_306 = arith.constant 16 : i32
            %shift_left3A_307 = vector.broadcast %shift_left3A_306 : i32 to vector<16xi32>
            %shift_left3A_308 = arith.shli %get3A_302, %shift_left3A_307 : vector<16xi32>
            %bitcast3A_309 = vector.bitcast %shift_left3A_308 : vector<16xi32> to vector<16xf32>
            %bitcast3A_310 = vector.bitcast %get3A_302 : vector<16xi32> to vector<16xf32>
            %shift_left3A_311 = arith.constant 16 : i32
            %shift_left3A_312 = vector.broadcast %shift_left3A_311 : i32 to vector<16xi32>
            %shift_left3A_313 = arith.shli %get3A_305, %shift_left3A_312 : vector<16xi32>
            %bitcast3A_314 = vector.bitcast %shift_left3A_313 : vector<16xi32> to vector<16xf32>
            %bitcast3A_315 = vector.bitcast %get3A_305 : vector<16xi32> to vector<16xf32>
            %mul3A_316 = arith.mulf %bitcast3A_309, %bitcast3A_314 : vector<16xf32>
            %add3A_317 = arith.addf %add3A_277, %mul3A_316 : vector<16xf32>
            %mul3A_318 = arith.mulf %bitcast3A_310, %bitcast3A_315 : vector<16xf32>
            %add3A_319 = arith.addf %add3A_279, %mul3A_318 : vector<16xf32>
            %add3A_320 = arith.addf %add3A_297, %add3A_299 : vector<16xf32>
            %add3A_321 = arith.addf %add3A_317, %add3A_319 : vector<16xf32>
            %add3A_322 = arith.addf %add3A_320, %add3A_321 : vector<16xf32>
            %reduce_sum3A = arith.constant true
            %reduce_sum3A_323 = vector.broadcast %reduce_sum3A : i1 to vector<16xi1>
            %reduce_sum3A_324 = tpu.scan <sum>, %add3A_322 masked %reduce_sum3A_323 : vector<16xf32>, vector<16xi1> -> vector<16xf32>
            %reduce_sum3A_325 = vector.extract %reduce_sum3A_324[15] : f32 from vector<16xf32>
            %and3A = arith.constant 15 : i32
            %and3A_326 = arith.andi %while3A_159, %and3A : i32
            %eq3A_327 = vector.broadcast %and3A_326 : i32 to vector<16xi32>
            %eq3A_328 = arith.cmpi eq, %iota3A, %eq3A_327 : vector<16xi32>
            %broadcast_in_dim3A_329 = vector.broadcast %reduce_sum3A_325 : f32 to vector<16xf32>
            %select_n3A = arith.select %eq3A_328, %broadcast_in_dim3A_329, %while3A_160 : vector<16xi1>, vector<16xf32>
            scf.yield %select_n3A : vector<16xf32>
          }
          %while3A_156 = arith.constant 1 : i32
          %while3A_157 = scf.for %while3A_159 = %while3A_153 to %while3A_149 step %while3A_156 iter_args(%while3A_160 = %while3A_155) -> (vector<16xf32>)  : i32 {
            %broadcast_in_dim3A_161 = arith.constant 0.000000e+00 : f32
            %broadcast_in_dim3A_162 = vector.broadcast %broadcast_in_dim3A_161 : f32 to vector<16xf32>
            %get3A = arith.index_cast %while3A_159 : i32 to index
            %get3A_163 = arith.constant 0 : index
            %get3A_164 = tpu.vector_load %arg10[%get3A, %get3A_163] {strides = array<i32>} : memref<64x128xi32, #tpu.memory_space<vmem>>, vector<16xi32>,
            %get3A_165 = arith.index_cast %while3A_159 : i32 to index
            %get3A_166 = arith.constant 0 : index
            %get3A_167 = tpu.vector_load %arg12[%get3A_165, %get3A_166] {strides = array<i32>} : memref<64x128xi32, #tpu.memory_space<vmem>>, vector<16xi32>,
            %shift_left3A = arith.constant 16 : i32
            %shift_left3A_168 = vector.broadcast %shift_left3A : i32 to vector<16xi32>
            %shift_left3A_169 = arith.shli %get3A_164, %shift_left3A_168 : vector<16xi32>
            %bitcast3A = vector.bitcast %shift_left3A_169 : vector<16xi32> to vector<16xf32>
            %bitcast3A_170 = vector.bitcast %get3A_164 : vector<16xi32> to vector<16xf32>
            %shift_left3A_171 = arith.constant 16 : i32
            %shift_left3A_172 = vector.broadcast %shift_left3A_171 : i32 to vector<16xi32>
            %shift_left3A_173 = arith.shli %get3A_167, %shift_left3A_172 : vector<16xi32>
            %bitcast3A_174 = vector.bitcast %shift_left3A_173 : vector<16xi32> to vector<16xf32>
            %bitcast3A_175 = vector.bitcast %get3A_167 : vector<16xi32> to vector<16xf32>
            %mul3A_176 = arith.mulf %bitcast3A, %bitcast3A_174 : vector<16xf32>
            %add3A_177 = arith.addf %broadcast_in_dim3A_162, %mul3A_176 : vector<16xf32>
            %mul3A_178 = arith.mulf %bitcast3A_170, %bitcast3A_175 : vector<16xf32>
            %add3A_179 = arith.addf %broadcast_in_dim3A_162, %mul3A_178 : vector<16xf32>
            %get3A_180 = arith.index_cast %while3A_159 : i32 to index
            %get3A_181 = arith.constant 16 : index
            %get3A_182 = tpu.vector_load %arg10[%get3A_180, %get3A_181] {strides = array<i32>} : memref<64x128xi32, #tpu.memory_space<vmem>>, vector<16xi32>,
            %get3A_183 = arith.index_cast %while3A_159 : i32 to index
            %get3A_184 = arith.constant 16 : index
            %get3A_185 = tpu.vector_load %arg12[%get3A_183, %get3A_184] {strides = array<i32>} : memref<64x128xi32, #tpu.memory_space<vmem>>, vector<16xi32>,
            %shift_left3A_186 = arith.constant 16 : i32
            %shift_left3A_187 = vector.broadcast %shift_left3A_186 : i32 to vector<16xi32>
            %shift_left3A_188 = arith.shli %get3A_182, %shift_left3A_187 : vector<16xi32>
            %bitcast3A_189 = vector.bitcast %shift_left3A_188 : vector<16xi32> to vector<16xf32>
            %bitcast3A_190 = vector.bitcast %get3A_182 : vector<16xi32> to vector<16xf32>
            %shift_left3A_191 = arith.constant 16 : i32
            %shift_left3A_192 = vector.broadcast %shift_left3A_191 : i32 to vector<16xi32>
            %shift_left3A_193 = arith.shli %get3A_185, %shift_left3A_192 : vector<16xi32>
            %bitcast3A_194 = vector.bitcast %shift_left3A_193 : vector<16xi32> to vector<16xf32>
            %bitcast3A_195 = vector.bitcast %get3A_185 : vector<16xi32> to vector<16xf32>
            %mul3A_196 = arith.mulf %bitcast3A_189, %bitcast3A_194 : vector<16xf32>
            %add3A_197 = arith.addf %broadcast_in_dim3A_162, %mul3A_196 : vector<16xf32>
            %mul3A_198 = arith.mulf %bitcast3A_190, %bitcast3A_195 : vector<16xf32>
            %add3A_199 = arith.addf %broadcast_in_dim3A_162, %mul3A_198 : vector<16xf32>
            %get3A_200 = arith.index_cast %while3A_159 : i32 to index
            %get3A_201 = arith.constant 32 : index
            %get3A_202 = tpu.vector_load %arg10[%get3A_200, %get3A_201] {strides = array<i32>} : memref<64x128xi32, #tpu.memory_space<vmem>>, vector<16xi32>,
            %get3A_203 = arith.index_cast %while3A_159 : i32 to index
            %get3A_204 = arith.constant 32 : index
            %get3A_205 = tpu.vector_load %arg12[%get3A_203, %get3A_204] {strides = array<i32>} : memref<64x128xi32, #tpu.memory_space<vmem>>, vector<16xi32>,
            %shift_left3A_206 = arith.constant 16 : i32
            %shift_left3A_207 = vector.broadcast %shift_left3A_206 : i32 to vector<16xi32>
            %shift_left3A_208 = arith.shli %get3A_202, %shift_left3A_207 : vector<16xi32>
            %bitcast3A_209 = vector.bitcast %shift_left3A_208 : vector<16xi32> to vector<16xf32>
            %bitcast3A_210 = vector.bitcast %get3A_202 : vector<16xi32> to vector<16xf32>
            %shift_left3A_211 = arith.constant 16 : i32
            %shift_left3A_212 = vector.broadcast %shift_left3A_211 : i32 to vector<16xi32>
            %shift_left3A_213 = arith.shli %get3A_205, %shift_left3A_212 : vector<16xi32>
            %bitcast3A_214 = vector.bitcast %shift_left3A_213 : vector<16xi32> to vector<16xf32>
            %bitcast3A_215 = vector.bitcast %get3A_205 : vector<16xi32> to vector<16xf32>
            %mul3A_216 = arith.mulf %bitcast3A_209, %bitcast3A_214 : vector<16xf32>
            %add3A_217 = arith.addf %add3A_177, %mul3A_216 : vector<16xf32>
            %mul3A_218 = arith.mulf %bitcast3A_210, %bitcast3A_215 : vector<16xf32>
            %add3A_219 = arith.addf %add3A_179, %mul3A_218 : vector<16xf32>
            %get3A_220 = arith.index_cast %while3A_159 : i32 to index
            %get3A_221 = arith.constant 48 : index
            %get3A_222 = tpu.vector_load %arg10[%get3A_220, %get3A_221] {strides = array<i32>} : memref<64x128xi32, #tpu.memory_space<vmem>>, vector<16xi32>,
            %get3A_223 = arith.index_cast %while3A_159 : i32 to index
            %get3A_224 = arith.constant 48 : index
            %get3A_225 = tpu.vector_load %arg12[%get3A_223, %get3A_224] {strides = array<i32>} : memref<64x128xi32, #tpu.memory_space<vmem>>, vector<16xi32>,
            %shift_left3A_226 = arith.constant 16 : i32
            %shift_left3A_227 = vector.broadcast %shift_left3A_226 : i32 to vector<16xi32>
            %shift_left3A_228 = arith.shli %get3A_222, %shift_left3A_227 : vector<16xi32>
            %bitcast3A_229 = vector.bitcast %shift_left3A_228 : vector<16xi32> to vector<16xf32>
            %bitcast3A_230 = vector.bitcast %get3A_222 : vector<16xi32> to vector<16xf32>
            %shift_left3A_231 = arith.constant 16 : i32
            %shift_left3A_232 = vector.broadcast %shift_left3A_231 : i32 to vector<16xi32>
            %shift_left3A_233 = arith.shli %get3A_225, %shift_left3A_232 : vector<16xi32>
            %bitcast3A_234 = vector.bitcast %shift_left3A_233 : vector<16xi32> to vector<16xf32>
            %bitcast3A_235 = vector.bitcast %get3A_225 : vector<16xi32> to vector<16xf32>
            %mul3A_236 = arith.mulf %bitcast3A_229, %bitcast3A_234 : vector<16xf32>
            %add3A_237 = arith.addf %add3A_197, %mul3A_236 : vector<16xf32>
            %mul3A_238 = arith.mulf %bitcast3A_230, %bitcast3A_235 : vector<16xf32>
            %add3A_239 = arith.addf %add3A_199, %mul3A_238 : vector<16xf32>
            %get3A_240 = arith.index_cast %while3A_159 : i32 to index
            %get3A_241 = arith.constant 64 : index
            %get3A_242 = tpu.vector_load %arg10[%get3A_240, %get3A_241] {strides = array<i32>} : memref<64x128xi32, #tpu.memory_space<vmem>>, vector<16xi32>,
            %get3A_243 = arith.index_cast %while3A_159 : i32 to index
            %get3A_244 = arith.constant 64 : index
            %get3A_245 = tpu.vector_load %arg12[%get3A_243, %get3A_244] {strides = array<i32>} : memref<64x128xi32, #tpu.memory_space<vmem>>, vector<16xi32>,
            %shift_left3A_246 = arith.constant 16 : i32
            %shift_left3A_247 = vector.broadcast %shift_left3A_246 : i32 to vector<16xi32>
            %shift_left3A_248 = arith.shli %get3A_242, %shift_left3A_247 : vector<16xi32>
            %bitcast3A_249 = vector.bitcast %shift_left3A_248 : vector<16xi32> to vector<16xf32>
            %bitcast3A_250 = vector.bitcast %get3A_242 : vector<16xi32> to vector<16xf32>
            %shift_left3A_251 = arith.constant 16 : i32
            %shift_left3A_252 = vector.broadcast %shift_left3A_251 : i32 to vector<16xi32>
            %shift_left3A_253 = arith.shli %get3A_245, %shift_left3A_252 : vector<16xi32>
            %bitcast3A_254 = vector.bitcast %shift_left3A_253 : vector<16xi32> to vector<16xf32>
            %bitcast3A_255 = vector.bitcast %get3A_245 : vector<16xi32> to vector<16xf32>
            %mul3A_256 = arith.mulf %bitcast3A_249, %bitcast3A_254 : vector<16xf32>
            %add3A_257 = arith.addf %add3A_217, %mul3A_256 : vector<16xf32>
            %mul3A_258 = arith.mulf %bitcast3A_250, %bitcast3A_255 : vector<16xf32>
            %add3A_259 = arith.addf %add3A_219, %mul3A_258 : vector<16xf32>
            %get3A_260 = arith.index_cast %while3A_159 : i32 to index
            %get3A_261 = arith.constant 80 : index
            %get3A_262 = tpu.vector_load %arg10[%get3A_260, %get3A_261] {strides = array<i32>} : memref<64x128xi32, #tpu.memory_space<vmem>>, vector<16xi32>,
            %get3A_263 = arith.index_cast %while3A_159 : i32 to index
            %get3A_264 = arith.constant 80 : index
            %get3A_265 = tpu.vector_load %arg12[%get3A_263, %get3A_264] {strides = array<i32>} : memref<64x128xi32, #tpu.memory_space<vmem>>, vector<16xi32>,
            %shift_left3A_266 = arith.constant 16 : i32
            %shift_left3A_267 = vector.broadcast %shift_left3A_266 : i32 to vector<16xi32>
            %shift_left3A_268 = arith.shli %get3A_262, %shift_left3A_267 : vector<16xi32>
            %bitcast3A_269 = vector.bitcast %shift_left3A_268 : vector<16xi32> to vector<16xf32>
            %bitcast3A_270 = vector.bitcast %get3A_262 : vector<16xi32> to vector<16xf32>
            %shift_left3A_271 = arith.constant 16 : i32
            %shift_left3A_272 = vector.broadcast %shift_left3A_271 : i32 to vector<16xi32>
            %shift_left3A_273 = arith.shli %get3A_265, %shift_left3A_272 : vector<16xi32>
            %bitcast3A_274 = vector.bitcast %shift_left3A_273 : vector<16xi32> to vector<16xf32>
            %bitcast3A_275 = vector.bitcast %get3A_265 : vector<16xi32> to vector<16xf32>
            %mul3A_276 = arith.mulf %bitcast3A_269, %bitcast3A_274 : vector<16xf32>
            %add3A_277 = arith.addf %add3A_237, %mul3A_276 : vector<16xf32>
            %mul3A_278 = arith.mulf %bitcast3A_270, %bitcast3A_275 : vector<16xf32>
            %add3A_279 = arith.addf %add3A_239, %mul3A_278 : vector<16xf32>
            %get3A_280 = arith.index_cast %while3A_159 : i32 to index
            %get3A_281 = arith.constant 96 : index
            %get3A_282 = tpu.vector_load %arg10[%get3A_280, %get3A_281] {strides = array<i32>} : memref<64x128xi32, #tpu.memory_space<vmem>>, vector<16xi32>,
            %get3A_283 = arith.index_cast %while3A_159 : i32 to index
            %get3A_284 = arith.constant 96 : index
            %get3A_285 = tpu.vector_load %arg12[%get3A_283, %get3A_284] {strides = array<i32>} : memref<64x128xi32, #tpu.memory_space<vmem>>, vector<16xi32>,
            %shift_left3A_286 = arith.constant 16 : i32
            %shift_left3A_287 = vector.broadcast %shift_left3A_286 : i32 to vector<16xi32>
            %shift_left3A_288 = arith.shli %get3A_282, %shift_left3A_287 : vector<16xi32>
            %bitcast3A_289 = vector.bitcast %shift_left3A_288 : vector<16xi32> to vector<16xf32>
            %bitcast3A_290 = vector.bitcast %get3A_282 : vector<16xi32> to vector<16xf32>
            %shift_left3A_291 = arith.constant 16 : i32
            %shift_left3A_292 = vector.broadcast %shift_left3A_291 : i32 to vector<16xi32>
            %shift_left3A_293 = arith.shli %get3A_285, %shift_left3A_292 : vector<16xi32>
            %bitcast3A_294 = vector.bitcast %shift_left3A_293 : vector<16xi32> to vector<16xf32>
            %bitcast3A_295 = vector.bitcast %get3A_285 : vector<16xi32> to vector<16xf32>
            %mul3A_296 = arith.mulf %bitcast3A_289, %bitcast3A_294 : vector<16xf32>
            %add3A_297 = arith.addf %add3A_257, %mul3A_296 : vector<16xf32>
            %mul3A_298 = arith.mulf %bitcast3A_290, %bitcast3A_295 : vector<16xf32>
            %add3A_299 = arith.addf %add3A_259, %mul3A_298 : vector<16xf32>
            %get3A_300 = arith.index_cast %while3A_159 : i32 to index
            %get3A_301 = arith.constant 112 : index
            %get3A_302 = tpu.vector_load %arg10[%get3A_300, %get3A_301] {strides = array<i32>} : memref<64x128xi32, #tpu.memory_space<vmem>>, vector<16xi32>,
            %get3A_303 = arith.index_cast %while3A_159 : i32 to index
            %get3A_304 = arith.constant 112 : index
            %get3A_305 = tpu.vector_load %arg12[%get3A_303, %get3A_304] {strides = array<i32>} : memref<64x128xi32, #tpu.memory_space<vmem>>, vector<16xi32>,
            %shift_left3A_306 = arith.constant 16 : i32
            %shift_left3A_307 = vector.broadcast %shift_left3A_306 : i32 to vector<16xi32>
            %shift_left3A_308 = arith.shli %get3A_302, %shift_left3A_307 : vector<16xi32>
            %bitcast3A_309 = vector.bitcast %shift_left3A_308 : vector<16xi32> to vector<16xf32>
            %bitcast3A_310 = vector.bitcast %get3A_302 : vector<16xi32> to vector<16xf32>
            %shift_left3A_311 = arith.constant 16 : i32
            %shift_left3A_312 = vector.broadcast %shift_left3A_311 : i32 to vector<16xi32>
            %shift_left3A_313 = arith.shli %get3A_305, %shift_left3A_312 : vector<16xi32>
            %bitcast3A_314 = vector.bitcast %shift_left3A_313 : vector<16xi32> to vector<16xf32>
            %bitcast3A_315 = vector.bitcast %get3A_305 : vector<16xi32> to vector<16xf32>
            %mul3A_316 = arith.mulf %bitcast3A_309, %bitcast3A_314 : vector<16xf32>
            %add3A_317 = arith.addf %add3A_277, %mul3A_316 : vector<16xf32>
            %mul3A_318 = arith.mulf %bitcast3A_310, %bitcast3A_315 : vector<16xf32>
            %add3A_319 = arith.addf %add3A_279, %mul3A_318 : vector<16xf32>
            %add3A_320 = arith.addf %add3A_297, %add3A_299 : vector<16xf32>
            %add3A_321 = arith.addf %add3A_317, %add3A_319 : vector<16xf32>
            %add3A_322 = arith.addf %add3A_320, %add3A_321 : vector<16xf32>
            %reduce_sum3A = arith.constant true
            %reduce_sum3A_323 = vector.broadcast %reduce_sum3A : i1 to vector<16xi1>
            %reduce_sum3A_324 = tpu.scan <sum>, %add3A_322 masked %reduce_sum3A_323 : vector<16xf32>, vector<16xi1> -> vector<16xf32>
            %reduce_sum3A_325 = vector.extract %reduce_sum3A_324[15] : f32 from vector<16xf32>
            %and3A = arith.constant 15 : i32
            %and3A_326 = arith.andi %while3A_159, %and3A : i32
            %eq3A_327 = vector.broadcast %and3A_326 : i32 to vector<16xi32>
            %eq3A_328 = arith.cmpi eq, %iota3A, %eq3A_327 : vector<16xi32>
            %broadcast_in_dim3A_329 = vector.broadcast %reduce_sum3A_325 : f32 to vector<16xf32>
            %select_n3A = arith.select %eq3A_328, %broadcast_in_dim3A_329, %while3A_160 : vector<16xi1>, vector<16xf32>
            scf.yield %select_n3A : vector<16xf32>
          }
          %swap3A = arith.index_cast %mul3A_145 : i32 to index
          %swap3A_158 = tpu.vector_load %arg14[%swap3A] {strides = array<i32>} : memref<64xf32, #tpu.memory_space<vmem>>, vector<16xf32>,
          tpu.vector_store %arg14[%swap3A], %while3A_157 {strides = array<i32>} : memref<64xf32, #tpu.memory_space<vmem>>, vector<16xf32>,
        }
        %scan3A_134 = arith.constant 4 : i32
        %mul3A_135 = arith.constant 64 : i32
        %mul3A_136 = arith.muli %add3A_102, %mul3A_135 : i32
        %min3A_137 = arith.constant 4936 : i32
        %min3A_138 = arith.minsi %mul3A_136, %min3A_137 : i32
        %multiple_of3A_139 = tpu.assume_multiple %min3A_138, 8 : i32
        %add3A_140 = arith.addi %multiple_of3A, %multiple_of3A_139 : i32
        %dma_start3A_141 = tpu.memref_slice %arg5[%add3A_140] : memref<160000xf32, #tpu.memory_space<hbm>> -> memref<64xf32, #tpu.memory_space<hbm>>
        %dma_start3A_142 = tpu.memref_slice %arg5[%add3A_140] : memref<160000xf32, #tpu.memory_space<hbm>> -> memref<64xf32, #tpu.memory_space<hbm>>
        tpu.enqueue_dma source(%arg14 : memref<64xf32, #tpu.memory_space<vmem>>) target(%dma_start3A_142 : memref<64xf32, #tpu.memory_space<hbm>>) target_semaphore(%arg18 : memref<!tpu.dma_semaphore, #tpu.memory_space<semaphore_mem>>)
      } else {
      }
      %add3A_108 = arith.constant 2 : i32
      %add3A_109 = arith.addi %add3A_102, %add3A_108 : i32
      %lt3A_110 = arith.constant 79 : i32
      %lt3A_111 = arith.cmpi slt, %add3A_109, %lt3A_110 : i32
      %convert_element_type3A_112 = arith.extui %lt3A_111 : i1 to i32
      %cond3A_113 = arith.constant 0 : i32
      %cond3A_114 = arith.cmpi ne, %convert_element_type3A_112, %cond3A_113 : i32
      scf.if %cond3A_114 {
        %add3A_115 = arith.constant 2 : i32
        %add3A_116 = arith.addi %add3A_102, %add3A_115 : i32
        %mul3A_117 = arith.constant 64 : i32
        %mul3A_118 = arith.muli %add3A_116, %mul3A_117 : i32
        %min3A_119 = arith.constant 4936 : i32
        %min3A_120 = arith.minsi %mul3A_118, %min3A_119 : i32
        %multiple_of3A_121 = tpu.assume_multiple %min3A_120, 8 : i32
        %dma_start3A_122 = arith.constant 0 : i32
        %dma_start3A_123 = arith.constant 0 : i32
        %dma_start3A_124 = tpu.memref_slice %arg10[%dma_start3A_122, %dma_start3A_123] : memref<64x128xi32, #tpu.memory_space<vmem>> -> memref<32x128xi32, #tpu.memory_space<vmem>>
        %dma_start3A_125 = tpu.memref_slice %arg7[%multiple_of3A_121] : memref<5000xi32, #tpu.memory_space<vmem>> -> memref<32xi32, #tpu.memory_space<vmem>>
        %dma_start3A_126 = arith.constant 0 : i32
        %dma_start3A_127 = arith.constant 0 : i32
        %dma_start3A_128 = tpu.memref_slice %arg6[%dma_start3A_126, %dma_start3A_127] : memref<10000x128xi32, #tpu.memory_space<vmem_shared>> -> memref<10000x128xi32, #tpu.memory_space<vmem_shared>>
        tpu.enqueue_indirect_dma source(%dma_start3A_128 : memref<10000x128xi32, #tpu.memory_space<vmem_shared>>) target(%dma_start3A_124 : memref<32x128xi32, #tpu.memory_space<vmem>>) offsets(%dma_start3A_125 : memref<32xi32, #tpu.memory_space<vmem>>) semaphore(%arg16 : memref<!tpu.dma_semaphore, #tpu.memory_space<semaphore_mem>>)
        %add3A_129 = arith.constant 32 : i32
        %add3A_130 = arith.addi %multiple_of3A_121, %add3A_129 : i32
        %dma_start3A_131 = arith.constant 32 : i32
        %dma_start3A_132 = arith.constant 0 : i32
        %dma_start3A_133 = tpu.memref_slice %arg10[%dma_start3A_131, %dma_start3A_132] : memref<64x128xi32, #tpu.memory_space<vmem>> -> memref<32x128xi32, #tpu.memory_space<vmem>>
        %dma_start3A_134 = tpu.memref_slice %arg7[%add3A_130] : memref<5000xi32, #tpu.memory_space<vmem>> -> memref<32xi32, #tpu.memory_space<vmem>>
        %dma_start3A_135 = arith.constant 0 : i32
        %dma_start3A_136 = arith.constant 0 : i32
        %dma_start3A_137 = tpu.memref_slice %arg6[%dma_start3A_135, %dma_start3A_136] : memref<10000x128xi32, #tpu.memory_space<vmem_shared>> -> memref<10000x128xi32, #tpu.memory_space<vmem_shared>>
        tpu.enqueue_indirect_dma source(%dma_start3A_137 : memref<10000x128xi32, #tpu.memory_space<vmem_shared>>) target(%dma_start3A_133 : memref<32x128xi32, #tpu.memory_space<vmem>>) offsets(%dma_start3A_134 : memref<32xi32, #tpu.memory_space<vmem>>) semaphore(%arg16 : memref<!tpu.dma_semaphore, #tpu.memory_space<semaphore_mem>>)
        %dma_start3A_138 = arith.constant 0 : i32
        %dma_start3A_139 = arith.constant 0 : i32
        %dma_start3A_140 = tpu.memref_slice %arg12[%dma_start3A_138, %dma_start3A_139] : memref<64x128xi32, #tpu.memory_space<vmem>> -> memref<32x128xi32, #tpu.memory_space<vmem>>
        %dma_start3A_141 = tpu.memref_slice %arg8[%multiple_of3A_121] : memref<5000xi32, #tpu.memory_space<vmem>> -> memref<32xi32, #tpu.memory_space<vmem>>
        %dma_start3A_142 = arith.constant 0 : i32
        %dma_start3A_143 = arith.constant 0 : i32
        %dma_start3A_144 = tpu.memref_slice %arg6[%dma_start3A_142, %dma_start3A_143] : memref<10000x128xi32, #tpu.memory_space<vmem_shared>> -> memref<10000x128xi32, #tpu.memory_space<vmem_shared>>
        tpu.enqueue_indirect_dma source(%dma_start3A_144 : memref<10000x128xi32, #tpu.memory_space<vmem_shared>>) target(%dma_start3A_140 : memref<32x128xi32, #tpu.memory_space<vmem>>) offsets(%dma_start3A_141 : memref<32xi32, #tpu.memory_space<vmem>>) semaphore(%arg16 : memref<!tpu.dma_semaphore, #tpu.memory_space<semaphore_mem>>)
        %add3A_145 = arith.constant 32 : i32
        %add3A_146 = arith.addi %multiple_of3A_121, %add3A_145 : i32
        %dma_start3A_147 = arith.constant 32 : i32
        %dma_start3A_148 = arith.constant 0 : i32
        %dma_start3A_149 = tpu.memref_slice %arg12[%dma_start3A_147, %dma_start3A_148] : memref<64x128xi32, #tpu.memory_space<vmem>> -> memref<32x128xi32, #tpu.memory_space<vmem>>
        %dma_start3A_150 = tpu.memref_slice %arg8[%add3A_146] : memref<5000xi32, #tpu.memory_space<vmem>> -> memref<32xi32, #tpu.memory_space<vmem>>
        %dma_start3A_151 = arith.constant 0 : i32
        %dma_start3A_152 = arith.constant 0 : i32
        %dma_start3A_153 = tpu.memref_slice %arg6[%dma_start3A_151, %dma_start3A_152] : memref<10000x128xi32, #tpu.memory_space<vmem_shared>> -> memref<10000x128xi32, #tpu.memory_space<vmem_shared>>
        tpu.enqueue_indirect_dma source(%dma_start3A_153 : memref<10000x128xi32, #tpu.memory_space<vmem_shared>>) target(%dma_start3A_149 : memref<32x128xi32, #tpu.memory_space<vmem>>) offsets(%dma_start3A_150 : memref<32xi32, #tpu.memory_space<vmem>>) semaphore(%arg16 : memref<!tpu.dma_semaphore, #tpu.memory_space<semaphore_mem>>)
      } else {
      }
    }
    %scan3A_79 = arith.constant 40 : i32
    %dma_wait3A = tpu.memref_slice %arg5[%multiple_of3A] : memref<160000xf32, #tpu.memory_space<hbm>> -> memref<64xf32, #tpu.memory_space<hbm>>
    %dma_wait3A_80 = tpu.memref_slice %arg5[%multiple_of3A] : memref<160000xf32, #tpu.memory_space<hbm>> -> memref<64xf32, #tpu.memory_space<hbm>>
    tpu.wait_dma2 semaphore(%arg17 : memref<!tpu.dma_semaphore, #tpu.memory_space<semaphore_mem>>) src(%arg13 : memref<64xf32, #tpu.memory_space<vmem>>) dst(%dma_wait3A_80 : memref<64xf32, #tpu.memory_space<hbm>>)
    %dma_wait3A_81 = tpu.memref_slice %arg5[%multiple_of3A] : memref<160000xf32, #tpu.memory_space<hbm>> -> memref<64xf32, #tpu.memory_space<hbm>>
    %dma_wait3A_82 = tpu.memref_slice %arg5[%multiple_of3A] : memref<160000xf32, #tpu.memory_space<hbm>> -> memref<64xf32, #tpu.memory_space<hbm>>
    tpu.wait_dma2 semaphore(%arg18 : memref<!tpu.dma_semaphore, #tpu.memory_space<semaphore_mem>>) src(%arg14 : memref<64xf32, #tpu.memory_space<vmem>>) dst(%dma_wait3A_82 : memref<64xf32, #tpu.memory_space<hbm>>)
    return
  }
}

</mosaic_0001>

<sc_bundles>
// kernel: kernel.3.cloned.1.call-start
scs
__scs_entry_jumppad:
0x0: {  	(pc) =	sbr.rel $0x88, $3  }
0x1: {  	(tag) =	ssettag $0x0;
	lr =	simm.s32 $0x1  }
0x2: {  	[smem:$0x3F9F] =	sst lr;
	_ =	strace $0xD0000000  }
0x3: {  	_ = 	snop  }
0x4: {  	_ = 	snop  }
0x5: {  	_ = 	snop  }
0x6: {  	_ = 	snop  }
0x7: {  	_ = 	snop  }
__scs_overlays_trampoline_lowered:
0x8: {  	[smem:$0x3FAE] =	sst s0  }
0x9: {  	[smem:$0x3FAF] =	sst s1  }
0xa: {  	[smem:$0x3FB0] =	sst s2  }
0xb: {  	[smem:$0x3FB1] =	sst s3  }
0xc: {  	[smem:$0x3FB2] =	sst s4  }
0xd: {  	[smem:$0x3FB3] =	sst s5  }
0xe: {  	[smem:$0x3FB4] =	sst s6  }
0xf: {  	[smem:$0x3FB5] =	sst s7  }
0x10: {  	[smem:$0x3FB6] =	sst s8  }
0x11: {  	[smem:$0x3FB7] =	sst s9;
	s0 =	simm.s32 @!p0 $0x0  }
0x12: {  	s1 =	sld [smem:$0x3F9D];
	s0 =	simm.s32 @p0 $0x1  }
0x13: {  	[smem:$0x3FB8] =	sst s0;
	s0 =	simm.s32 @!p1 $0x0  }
0x14: {  	s2 =	sld [smem:$0x3F9C];
	s0 =	simm.s32 @p1 $0x1  }
0x15: {  	[smem:$0x3FB9] =	sst s0;
	s0 =	simm.s32 @!p2 $0x0  }
0x16: {  	s3 =	sld [smem:$0x3FDB];
	s0 =	simm.s32 @p2 $0x1  }
0x17: {  	s4 =	simm.s32 $0x1BF5;
	[smem:$0x3FBB] =	sst s0  }
0x18: {  	s0 =	sld [smem:$0x3F9E];
	_ =	swait.ge [sflag:s4], $0x0  }
0x19: {  	s7 =	sld [smem:$0x3F9F]  }
0x1a: {  	s8 =	sadd.s32 $0xFFFFE003, lr  }
0x1b: {  	s9 =	sadd.s32 $0xFFFFFEF7, lr;
	s5 =	simm.s32 $0xFFFFFFFF;
	p2 =	slt.u32 s8, $0xFFFFF086  }
0x1c: {  	p1 =	slt.u32 s9, $0xF7A;
	s5 =	simm.s32 @!p2 $0x0  }
0x1d: {  	s5 =	simm.s32 @p1 $0x1;
	p0 =	seq.s32 s7, s2  }
0x1e: {  	s7 =	smul.u32 @!p0 $0xF7A, s2;
	p2 =	seq.s32 @!p0 s5, $0x0  }
0x1f: {  	s9 =	smul.u32 $0xF7A, s1;
	s8 =	simm.s32 @!p0 $0x1BF5;
	p2 =	por !p2, p0  }
0x20: {  	[sflag:s8] =	ssyncset.s32 @!p0 $0xFFFFF086;
	s6 =	sadd.s32 @!p0 s3, s7;
	s7 =	simm.s32 @!p0 $0x108  }
0x21: {  	s3 =	sadd.s32 s3, s9;
	s6 =	sadd.s32 @!p0 $0x88, s6;
	s7 =	simm.s32 @p2 $0x1082  }
0x22: {  	[simem:s7], [sflag:s8] =	dma.local @!p0 [hbm:s6], $0xF7A  }
0x23: {  	s9 =	sor.u32 $0xD0000000, s2;
	s6 =	simm.s32 $0x108;
	_ =	swait.ge @!p0 [sflag:s8], $0x0  }
0x24: {  	s3 =	sadd.s32 $0x88, s3;
	s6 =	simm.s32 @!p1 $0x1082;
	[sflag:s4] =	ssyncset.s32 $0xFFFFF086  }
0x25: {  	[simem:s6], [sflag:s4] =	dma.local [hbm:s3], $0xF7A  }
0x26: {  	[smem:$0x3F9F] =	sst s1;
	(tag) =	ssettag s2;
	_ =	strace s9  }
0x27: {  	s1 =	sld [smem:$0x3FAF]  }
0x28: {  	s2 =	sld [smem:$0x3FB0]  }
0x29: {  	s4 =	sld [smem:$0x3FB2]  }
0x2a: {  	p0 =	seq.s32 s5, $0x0;
	s5 =	sld [smem:$0x3FB3]  }
0x2b: {  	s6 =	sld [smem:$0x3FB4]  }
0x2c: {  	s7 =	sld [smem:$0x3FB5]  }
0x2d: {  	s3 =	simm.s32 $0x108;
	s8 =	sld [smem:$0x3FB6]  }
0x2e: {  	s3 =	simm.s32 @!p0 $0x1082;
	s9 =	sld [smem:$0x3FB7]  }
0x2f: {  	lr =	sadd.s32 s0, s3;
	s0 =	sld [smem:$0x3FAE]  }
0x30: {  	s3 =	sld [smem:$0x3FB1]  }
0x31: {  	[smem:$0x3FBA] =	sst s10  }
0x32: {  	s10 =	sld [smem:$0x3FB8];
	_ =	sdelay $0x3  }
0x33: {  	p0 =	seq.s32 s10, $0x1;
	s10 =	sld [smem:$0x3FBA];
	_ =	sdelay $0x3  }
0x34: {  	[smem:$0x3FBA] =	sst s10  }
0x35: {  	s10 =	sld [smem:$0x3FB9];
	_ =	sdelay $0x3  }
0x36: {  	p1 =	seq.s32 s10, $0x1;
	s10 =	sld [smem:$0x3FBA];
	_ =	sdelay $0x3  }
0x37: {  	[smem:$0x3FBA] =	sst s10  }
0x38: {  	s10 =	sld [smem:$0x3FBB]  }
0x39: {  	_ = 	snop;
	(pc) =	sbr.ind lr, $3  }
0x3a: {  	_ = 	snop  }
0x3b: {  	_ = 	snop  }
0x3c: {  	p2 =	seq.s32 s10, $0x1;
	s10 =	sld [smem:$0x3FBA]  }
0x3d: {  	_ =	shalt  }
0x3e: {  	_ =	shalt  }
0x3f: {  	_ =	shalt  }
0x40: {  	_ =	shalt  }
0x41: {  	_ =	shalt  }
0x42: {  	_ =	shalt  }
0x43: {  	_ =	shalt  }
0x44: {  	_ =	shalt  }
0x45: {  	_ =	shalt  }
0x46: {  	_ =	shalt  }
0x47: {  	_ =	shalt  }
0x48: {  	_ =	shalt  }
0x49: {  	_ =	shalt  }
0x4a: {  	_ =	shalt  }
0x4b: {  	_ =	shalt  }
0x4c: {  	_ =	shalt  }
0x4d: {  	_ =	shalt  }
0x4e: {  	_ =	shalt  }
0x4f: {  	_ =	shalt  }
0x50: {  	_ =	shalt  }
0x51: {  	_ =	shalt  }
0x52: {  	_ =	shalt  }
0x53: {  	_ =	shalt  }
0x54: {  	_ =	shalt  }
0x55: {  	_ =	shalt  }
0x56: {  	_ =	shalt  }
0x57: {  	_ =	shalt  }
0x58: {  	_ =	shalt  }
0x59: {  	_ =	shalt  }
0x5a: {  	_ =	shalt  }
0x5b: {  	_ =	shalt  }
0x5c: {  	_ =	shalt  }
0x5d: {  	_ =	shalt  }
0x5e: {  	_ =	shalt  }
0x5f: {  	_ =	shalt  }
0x60: {  	_ =	shalt  }
0x61: {  	_ =	shalt  }
0x62: {  	_ =	shalt  }
0x63: {  	_ =	shalt  }
0x64: {  	_ =	shalt  }
0x65: {  	_ =	shalt  }
0x66: {  	_ =	shalt  }
0x67: {  	_ =	shalt  }
0x68: {  	_ =	shalt  }
0x69: {  	_ =	shalt  }
0x6a: {  	_ =	shalt  }
0x6b: {  	_ =	shalt  }
0x6c: {  	_ =	shalt  }
0x6d: {  	_ =	shalt  }
0x6e: {  	_ =	shalt  }
0x6f: {  	_ =	shalt  }
0x70: {  	_ =	shalt  }
0x71: {  	_ =	shalt  }
0x72: {  	_ =	shalt  }
0x73: {  	_ =	shalt  }
0x74: {  	_ =	shalt  }
0x75: {  	_ =	shalt  }
0x76: {  	_ =	shalt  }
0x77: {  	_ =	shalt  }
0x78: {  	_ =	shalt  }
0x79: {  	_ =	shalt  }
0x7a: {  	_ =	shalt  }
0x7b: {  	_ =	shalt  }
0x7c: {  	_ =	shalt  }
0x7d: {  	_ =	shalt  }
0x7e: {  	_ =	shalt  }
0x7f: {  	_ =	shalt  }
0x80: {  	_ =	shalt  }
0x81: {  	_ =	shalt  }
0x82: {  	_ =	shalt  }
0x83: {  	_ =	shalt  }
0x84: {  	_ =	shalt  }
0x85: {  	_ =	shalt  }
0x86: {  	_ =	shalt  }
0x87: {  	_ =	shalt  }
.Lfunc_end0:
.L_simem_size_0:
called_computation_lowered:
.L_overlay_start_0:
0x88: {  	s2 =	sld [smem:$0x3FD9]  }
0x89: {  	s3 =	sld [smem:$0x3FFE];
	_ =	sdelay $0x1  }
0x8a: {  	s1 =	srdreg.scid  }
0x8b: {  	s0 =	sand.u32 $0x1, s1  }
0x8c: {  	s17 =	sshll.u32 s0, $0xA;
	s2 =	sadd.s32 s3, s2  }
0x8d: {  	s2 =	sadd.s32 s2, s17  }
0x8e: {  	[smem:$0x3FC6] =	sst s2  }
0x8f: {  	_ = 	snop  }
0x90: {  	s2 =	sld [smem:$0x3FD0];
	(tm) =	ssettm $0x1  }
0x91: {  	s18 =	sld [smem:$0x3FFB];
	_ =	sdelay $0x3  }
0x92: {  	_ =	strace s18  }
0x93: {  	s3 =	sld [smem:$0x3FFC];
	_ =	sdelay $0x3  }
0x94: {  	_ =	strace s3  }
0x95: {  	s3 =	sld [smem:$0x3FFD];
	_ =	sdelay $0x3  }
0x96: {  	_ =	strace s3  }
0x97: {  	_ =	strace $0x8FFFFFFF  }
0x98: {  	s19 =	sld [smem:$0x3FDB];
	_ =	sdelay $0x1  }
0x99: {  	s4 =	simm.s32 $_scs_section_size  }
0x9a: {  	s5 =	simm.s32 $_size__tile_overlayer_lowered;
	s6 =	simm.s32 $_tile_overlayer_lowered  }
0x9b: {  	s22 =	simm.s32 $0x1BFF;
	s21 =	sshll.u32 s6, $0x1;
	s3 =	sadd.s32 s4, s19  }
0x9c: {  	s7 =	simm.s32 $0x0;
	s20 =	sshll.u32 s5, $0x1;
	s5 =	sadd.s32 s21, s3  }
0x9d: {  	[timem:s7], [sflag:s22] =	dma.local [hbm:s5], s20  }
0x9e: {  	_ =	swait.ge [sflag:s22], s20  }
0x9f: {  	s4 =	ssub.s32 $0x0, s20;
	[sflag:s22] =	ssyncset.done $0x0  }
0xa0: {  	[sflag:s22] =	ssyncadd.s32 s4;
	_ =	sdelay $0x1  }
0xa1: {  	s23 =	simm.s32 $0x1B8B  }
0xa2: {  	_ =	swait.ge [sflag:s23], $0x1  }
0xa3: {  	[sflag:s23] =	ssyncset.done $0x0  }
0xa4: {  	s25 =	simm.s32 $0x1B8E;
	s24 =	sld [smem:$0x3FFE];
	[sflag:s23] =	ssyncadd.s32 $0xFFFFFFFF  }
0xa5: {  	s26 =	simm.s32 $execute0_lowered;
	[smem:$0x3FD2] =	sst s25  }
0xa6: {  	s5 =	sshll.u32 s26, $0x1;
	_ =	strace $0x80000046;
	[dreg:$0x1] =	wrdreg $0xFFFFFFFF  }
0xa7: {  	s28 =	simm.s32 $_size_execute0_lowered;
	s3 =	sadd.s32 s3, s5;
	[dreg:$0x0] =	wrdreg $0x0  }
0xa8: {  	s5 =	sshll.u32 s28, $0x1;
	[dreg:$0x2] =	wrdreg s3  }
0xa9: {  	[dreg:$0x3] =	wrdreg s5  }
0xaa: {  	[dreg:$0x4] =	wrdreg $0xC0  }
0xab: {  	_ =	task [dreg:s7], $0x5FFFF  }
0xac: {  	[dreg:$0x1] =	wrdreg $0xFFFFFFFF  }
0xad: {  	[dreg:$0x0] =	wrdreg $0x60  }
0xae: {  	[dreg:$0x2] =	wrdreg s24  }
0xaf: {  	[dreg:$0x3] =	wrdreg s2  }
0xb0: {  	[dreg:$0x4] =	wrdreg $0x0  }
0xb1: {  	[dreg:$0x5] =	wrdreg $0x9  }
0xb2: {  	_ =	task.clear_ibuf [dreg:s7], $0x6FFFF;
	_ =	strace $0x90000046  }
0xb3: {  	s29 =	simm.s32 $0x9;
	_ =	strace $0x80000048  }
0xb4: {  	_ =	swait.ge [sflag:s29], $0x1  }
0xb5: {  	[sflag:s29] =	ssyncadd.s32 $0xFFFFFFFF  }
0xb6: {  	_ =	strace $0x90000048  }
0xb7: {  	_ =	sfence  }
0xb8: {  	s30 =	sld [smem:$0x0];
	_ =	sdelay $0x2  }
0xb9: {  	s31 =	sshll.u32 s1, $0xD;
	s1 =	sshrl.u32 s1, $0x2  }
0xba: {  	s3 =	sand.u32 $0x4000, s31;
	s1 =	sadd.s32 s1, s30  }
0xbb: {  	s0 =	sor.u32 s3, s0;
	s1 =	sshll.u32 s1, $0x11  }
0xbc: {  	s0 =	sor.u32 s1, s0  }
0xbd: {  	s0 =	sadd.s32 $0x8F2B, s0  }
0xbe: {  	[sflag:s0] =	ssyncadd.remote.s32 $0x1  }
0xbf: {  	_ =	sfence.sel $0xFFFF  }
0xc0: {  	[dreg:$0x0] =	wrdreg $0xFFFFFFFF;
	(pc) =	sbr.abs _section_cstart, $3  }
0xc1: {  	[dreg:$0x1] =	wrdreg $0xFFFFFFFF  }
0xc2: {  	_ =	task.clear_ibuf [dreg:s7], $0x2FFFF;
	_ =	strace $0x9FFFFFFF  }
0xc3: {  	(tm) =	ssettm $0x7FFFFFFF  }
tec
execute0_lowered:
.L_overlay_start_1:
0x0: {  	(tag) =	ssettag $0x1  }
0x1: {  	s0 =	srdreg.scid;
	s8 =	rddreg [dreg:$0x0]  }
0x2: {  	s1 =	stileid.u32;
	s2 =	rddreg [dreg:$0x1];
	s5 =	simm.s32 $0x0  }
0x3: {  	s10 =	simm.s32 $0x5;
	s13 =	simm.s32 $0x20;
	s14 =	simm.s32 $0x15F90  }
0x4: {  	s16 =	simm.s32 $0x16F90;
	s17 =	simm.s32 $0x19F90;
	s19 =	simm.s32 $0x1AF90  }
0x5: {  	s29 =	simm.s32 $0x1;
	s0 =	sand.u32 $0x1, s0;
	s3 =	sshll.u32 s1, $0x1  }
0x6: {  	s30 =	simm.s32 $0x1DF90;
	s31 =	simm.s32 $0x3;
	s4 =	sor.u32 s0, s3  }
0x7: {  	s15 =	simm.s32 $0x1DFD0;
	s18 =	simm.s32 $0x0;
	s4 =	smul.u32 $0x1388, s4  }
0x8: {  	[smem:$0x7FF] =	sst s5;
	p0 =	sne.s32 s1, $0x0;
	s1 =	simm.s32 $0x4  }
.Ltmp0:
0x9: {  	s3 =	rddreg [dreg:$0x2];
	s6 =	sshrl.u32 s4, $0x3;
	(pc) =	sbr.rel .LBB2_1-.Ltmp0, $4  }
0xa: {  	s0 =	ssub.s32 $0x2, s0;
	_ =	strace $0x80000047;
	s6 =	sadd.s32 s6, s8  }
0xb: {  	s7 =	sshrl.u32 s0, $0x1;
	s12 =	sshrl.u32 @!p0 s3, $0x3;
	s28 =	sadd.s32 $0x2C200, s6  }
0xc: {  	s0 =	ssub.s32 s0, s7;
	s6 =	sadd.s32 $0x27200, s6;
	[dreg:$0x4] =	wrdreg s28  }
0xd: {  	v0 =	vlaneseq.u32;
	s8 =	smax.u32 s0, $0x1;
	s0 =	simm.s32 $0x2;
	[dreg:$0x5] =	wrdreg s6  }
.LBB2_14:
0xe: {  	s18 =	sadd.s32 $0x1, s18  }
0xf: {  	_ =	swait.ge [sflag:s31], $0x40;
	p1 =	sne.s32 s18, s8  }
.Ltmp1:
0x10: {  	[sflag:s31] =	ssyncset.done $0x0;
	(pc) =	sbr.rel @!p1 .LBB2_15-.Ltmp1, $4  }
0x11: {  	[sflag:s31] =	ssyncadd.s32 $0xFFFFFFC0  }
0x12: {  	_ =	swait.ge [sflag:s1], $0x40  }
0x13: {  	[sflag:s1] =	ssyncset.done $0x0  }
0x14: {  	[sflag:s1] =	ssyncadd.s32 $0xFFFFFFC0  }
.LBB2_1:
0x15: {  	s6 =	rddreg [dreg:$0x4];
	s9 =	simm.s32 $0x13880  }
0x16: {  	[tilespmem:s9], [sflag:$0x5] =	stream.linear.gather [hbm4b:s6+s5], $0x1388, $0x38;
	[tilespmem:$0x1E010] =	vst v63  }
0x17: {  	_ =	swait.ge [sflag:s10], $0x1388  }
0x18: {  	[sflag:s10] =	ssyncset.done $0x0  }
0x19: {  	s11 =	simm.s32 $0x14C08;
	s7 =	rddreg [dreg:$0x5];
	[sflag:s10] =	ssyncadd.s32 $0xFFFFEC78  }
0x1a: {  	[tilespmem:s11], [sflag:$0x5] =	stream.linear.gather [hbm4b:s7+s5], $0x1388, $0x38;
	[tilespmem:$0x1E010] =	vst v63  }
0x1b: {  	_ =	swait.ge [sflag:s10], $0x1388  }
0x1c: {  	[sflag:s10] =	ssyncset.done $0x0  }
0x1d: {  	[sflag:s10] =	ssyncadd.s32 $0xFFFFEC78  }
0x1e: {  	s6 =	simm.s32 @!p0 $0x1C05;
	s7 =	rddreg [dreg:$0x0]  }
0x1f: {  	[spmem:s12], [sflag:s6] =	dma.local @!p0 [hbm:s7], $0x27100  }
0x20: {  	s6 =	simm.s32 @!p0 $0x5  }
0x21: {  	_ =	swait.ge @!p0 [sflag:s6], $0x27100  }
0x22: {  	[sflag:s6] =	ssyncset.done @!p0 $0x0  }
0x23: {  	[sflag:s6] =	ssyncadd.s32 @!p0 $0xFFFD8F00  }
0x24: {  	[bflag:$0x0] =	sbarrier.arrive $0xFFFF  }
0x25: {  	[tilespmem:s14], [sflag:$0x1] =	stream.indirect.gather [spmem:s3], $0x80, s9, s13, $0xb8;
	[tilespmem:$0x1E010] =	vst v63  }
0x26: {  	s9 =	simm.s32 $0x138A0  }
0x27: {  	[tilespmem:s16], [sflag:$0x1] =	stream.indirect.gather [spmem:s3], $0x80, s9, s13, $0xb8;
	[tilespmem:$0x1E010] =	vst v63  }
0x28: {  	_ = 	snop  }
0x29: {  	[tilespmem:s17], [sflag:$0x1] =	stream.indirect.gather [spmem:s3], $0x80, s11, s13, $0xb8;
	[tilespmem:$0x1E010] =	vst v63  }
0x2a: {  	s11 =	simm.s32 $0x14C28  }
0x2b: {  	[tilespmem:s19], [sflag:$0x1] =	stream.indirect.gather [spmem:s3], $0x80, s11, s13, $0xb8;
	[tilespmem:$0x1E010] =	vst v63  }
0x2c: {  	s20 =	simm.s32 $0x138C0;
	s21 =	simm.s32 $0x17F90  }
0x2d: {  	[tilespmem:s21], [sflag:$0x2] =	stream.indirect.gather [spmem:s3], $0x80, s20, s13, $0xb8;
	[tilespmem:$0x1E010] =	vst v63  }
0x2e: {  	s22 =	simm.s32 $0x138E0;
	s23 =	simm.s32 $0x18F90  }
0x2f: {  	[tilespmem:s23], [sflag:$0x2] =	stream.indirect.gather [spmem:s3], $0x80, s22, s13, $0xb8;
	[tilespmem:$0x1E010] =	vst v63  }
.Ltmp2:
0x30: {  	_ = 	snop;
	(pc) =	sbr.rel .LBB2_2-.Ltmp2, $4  }
0x31: {  	s24 =	simm.s32 $0x14C48;
	s25 =	simm.s32 $0x1BF90  }
0x32: {  	[tilespmem:s25], [sflag:$0x2] =	stream.indirect.gather [spmem:s3], $0x80, s24, s13, $0xb8;
	[tilespmem:$0x1E010] =	vst v63  }
0x33: {  	s26 =	simm.s32 $0x14C68;
	s28 =	simm.s32 $0x1CF90;
	s20 =	simm.s32 $0x0  }
0x34: {  	[tilespmem:s28], [sflag:$0x2] =	stream.indirect.gather [spmem:s3], $0x80, s26, s13, $0xb8;
	[tilespmem:$0x1E010] =	vst v63  }
.LBB2_13:
0x35: {  	p1 =	sgt.u32 s20, $0x25  }
0x36: {  	s6 =	sadd.s32 @!p1 $0x13940, s21;
	s7 =	simm.s32 @!p1 $0x20;
	s9 =	simm.s32 @!p1 $0x17F90  }
0x37: {  	[tilespmem:s9], [sflag:$0x2] =	stream.indirect.gather @!p1 [spmem:s3], $0x80, s6, s7, $0xb8;
	[tilespmem:$0x1E010] =	vst v63  }
0x38: {  	s6 =	sadd.s32 @!p1 $0x13960, s21;
	s9 =	simm.s32 @!p1 $0x18F90  }
0x39: {  	[tilespmem:s9], [sflag:$0x2] =	stream.indirect.gather @!p1 [spmem:s3], $0x80, s6, s7, $0xb8;
	[tilespmem:$0x1E010] =	vst v63  }
0x3a: {  	s6 =	sadd.s32 @!p1 $0x14CC8, s21;
	s9 =	simm.s32 @!p1 $0x1BF90  }
0x3b: {  	[tilespmem:s9], [sflag:$0x2] =	stream.indirect.gather @!p1 [spmem:s3], $0x80, s6, s7, $0xb8;
	[tilespmem:$0x1E010] =	vst v63  }
0x3c: {  	s20 =	sadd.s32 $0x1, s20;
	s6 =	sadd.s32 @!p1 $0x14CE8, s21;
	s9 =	simm.s32 @!p1 $0x1CF90  }
0x3d: {  	[tilespmem:s9], [sflag:$0x2] =	stream.indirect.gather @!p1 [spmem:s3], $0x80, s6, s7, $0xb8;
	[tilespmem:$0x1E010] =	vst v63  }
0x3e: {  	p1 =	sne.s32 s20, $0x28  }
.Ltmp3:
0x3f: {  	_ = 	snop;
	(pc) =	sbr.rel @!p1 .LBB2_14-.Ltmp3, $1  }
0x40: {  	_ =	sdelay $0x3  }
.LBB2_2:
0x41: {  	_ =	swait.ge [sflag:s29], $0x2000  }
0x42: {  	[sflag:s29] =	ssyncset.done $0x0  }
0x43: {  	[sflag:s29] =	ssyncadd.s32 $0xFFFFE000  }
0x44: {  	_ =	swait.ge [sflag:s29], $0x2000  }
0x45: {  	p1 =	seq.s32 s20, $0x0;
	[sflag:s29] =	ssyncset.done $0x0  }
0x46: {  	s6 =	simm.s32 @!p1 $0x3;
	[sflag:s29] =	ssyncadd.s32 $0xFFFFE000  }
0x47: {  	s22 =	sshll.u32 s20, $0x1;
	_ =	swait.ge @!p1 [sflag:s6], $0x40  }
0x48: {  	s21 =	simm.s32 $0x0;
	s23 =	simm.s32 $0x15FD0;
	[sflag:s6] =	ssyncset.done @!p1 $0x0  }
0x49: {  	s24 =	simm.s32 $0x19FD0;
	s25 =	simm.s32 $0x0;
	[sflag:s6] =	ssyncadd.s32 @!p1 $0xFFFFFFC0  }
.LBB2_3:
0x4a: {  	v1 =	vld [tilespmem:s23+$0x20]  }
0x4b: {  	v2 =	vld [tilespmem:s24+$0x20]  }
0x4c: {  	v3 =	vld [tilespmem:s23+$0x30]  }
0x4d: {  	v4 =	vld [tilespmem:s24+$0x30]  }
0x4e: {  	v5 =	vld [tilespmem:s23+$0x0]  }
0x4f: {  	v6 =	vld [tilespmem:s24+$0x0]  }
0x50: {  	v7 =	vld [tilespmem:s23+$0x10]  }
0x51: {  	v8 =	vld [tilespmem:s24+$0x10]  }
0x52: {  	v9 =	vld [tilespmem:s23+$0xFFFFFFE0]  }
0x53: {  	v10 =	vld [tilespmem:s24+$0xFFFFFFE0]  }
0x54: {  	v11 =	vld [tilespmem:s23+$0xFFFFFFF0]  }
0x55: {  	v12 =	vld [tilespmem:s24+$0xFFFFFFF0]  }
0x56: {  	v13 =	vld [tilespmem:s23+$0xFFFFFFC0]  }
0x57: {  	v14 =	vld [tilespmem:s24+$0xFFFFFFC0];
	v15 =	vmul.f32 v2, v1;
	v1 =	vshll.u32 v1, $0x10  }
0x58: {  	v16 =	vld [tilespmem:s23+$0xFFFFFFD0];
	v2 =	vshll.u32 v2, $0x10;
	v17 =	vmul.f32 v4, v3;
	v3 =	vshll.u32 v3, $0x10  }
0x59: {  	v18 =	vld [tilespmem:s24+$0xFFFFFFD0];
	v4 =	vshll.u32 v4, $0x10;
	v19 =	vshll.u32 v5, $0x10;
	v5 =	vmul.f32 v6, v5  }
0x5a: {  	v20 =	vmul.f32 v8, v7;
	v21 =	vshll.u32 v6, $0x10;
	v7 =	vshll.u32 v7, $0x10  }
0x5b: {  	s26 =	sadd.s32 $0x80, s23;
	v22 =	vshll.u32 v8, $0x10;
	v6 =	vshll.u32 v9, $0x10;
	v8 =	vmul.f32 v10, v9  }
0x5c: {  	s9 =	sadd.s32 $0x80, s24;
	v24 =	vld [tilespmem:s26+$0x20];
	v9 =	vmul.f32 v12, v11;
	v23 =	vmul.f32 v14, v13;
	v10 =	vshll.u32 v10, $0x10  }
0x5d: {  	v25 =	vld [tilespmem:s9+$0x20];
	v11 =	vshll.u32 v11, $0x10;
	v13 =	vshll.u32 v13, $0x10;
	v14 =	vshll.u32 v14, $0x10  }
0x5e: {  	v27 =	vld [tilespmem:s26+$0x30];
	v26 =	vmul.f32 v18, v16;
	v16 =	vshll.u32 v16, $0x10;
	v18 =	vshll.u32 v18, $0x10  }
0x5f: {  	v63 =	vld [tilespmem:s26+$0x0];
	v12 =	vshll.u32 v12, $0x10;
	v13 =	vmul.f32 v14, v13;
	v14 =	vmul.f32 v18, v16  }
0x60: {  	v18 =	vld [tilespmem:s9+$0x30];
	v10 =	vmul.f32 v10, v6;
	v16 =	vadd.f32 $0.0e+00, v23;
	v23 =	vadd.f32 $0.0e+00, v26  }
0x61: {  	v11 =	vmul.f32 v12, v11;
	v6 =	vld [tilespmem:s9+$0x0];
	v13 =	vadd.f32 $0.0e+00, v13;
	v14 =	vadd.f32 $0.0e+00, v14  }
0x62: {  	v7 =	vmul.f32 v22, v7;
	v22 =	vld [tilespmem:s26+$0xFFFFFFD0];
	v12 =	vadd.f32 v8, v16;
	v9 =	vadd.f32 v9, v23  }
0x63: {  	v16 =	vmul.f32 v21, v19;
	v8 =	vld [tilespmem:s26+$0x10];
	v13 =	vadd.f32 v10, v13;
	v11 =	vadd.f32 v11, v14  }
0x64: {  	v1 =	vmul.f32 v2, v1;
	v19 =	vld [tilespmem:s26+$0xFFFFFFC0];
	v2 =	vadd.f32 v5, v12;
	v5 =	vadd.f32 v20, v9  }
0x65: {  	v3 =	vmul.f32 v4, v3;
	v10 =	vld [tilespmem:s9+$0x10];
	v4 =	vadd.f32 v16, v13;
	v7 =	vadd.f32 v7, v11  }
0x66: {  	v14 =	vld [tilespmem:s26+$0xFFFFFFE0];
	v11 =	vadd.f32 v15, v2;
	v5 =	vadd.f32 v17, v5  }
0x67: {  	v9 =	vld [tilespmem:s9+$0xFFFFFFF0];
	v4 =	vadd.f32 v1, v4;
	v7 =	vadd.f32 v3, v7  }
0x68: {  	v13 =	vld [tilespmem:s9+$0xFFFFFFE0];
	v16 =	vshll.u32 v24, $0x10;
	v2 =	vmov s21  }
0x69: {  	v15 =	vld [tilespmem:s26+$0xFFFFFFF0];
	v17 =	vshll.u32 v25, $0x10;
	v11 =	vadd.f32 v4, v11;
	v12 =	vadd.f32 v7, v5  }
0x6a: {  	v21 =	vld [tilespmem:s9+$0xFFFFFFC0];
	v1 =	vimm.f32 $0.0e+00;
	v3 =	vmul.f32 v25, v24;
	v4 =	vmul.f32 v18, v27  }
0x6b: {  	v23 =	vld [tilespmem:s9+$0xFFFFFFD0];
	v5 =	vshll.u32 v27, $0x10;
	v7 =	vshll.u32 v18, $0x10;
	v20 =	vadd.f32 v12, v11  }
0x6c: {  	s28 =	sshll.u32 s25, $0x4;
	s11 =	simm.s32 $0x1;
	s6 =	simm.s32 $0x2;
	v18 =	vshll.u32 v63, $0x10;
	v11 =	vmul.f32 v6, v63;
	v12 =	vmul.f32 v10, v8  }
.LBB2_4:
0x6d: {  	p2 =	sne.s32 s6, $0xF;
	v24 =	vshll.u32 v6, $0x10;
	v25 =	vshll.u32 v8, $0x10;
	v26 =	vshll.u32 v10, $0x10;
	(xrf2) =	vadd.scan.msk.f32 $0xffff, v20  }
0x6e: {  	v6 =	vshll.u32 v14, $0x10;
	v10 =	vmul.f32 v13, v14;
	v14 =	vmul.f32 v9, v15;
	s26 =	sadd.s32 $0x80, s26  }
0x6f: {  	v13 =	vshll.u32 v13, $0x10;
	v15 =	vshll.u32 v15, $0x10;
	s9 =	sadd.s32 $0x80, s9;
	v8 =	vmul.f32 v21, v19;
	v20 =	vld [tilespmem:s26+$0x20]  }
0x70: {  	v19 =	vshll.u32 v19, $0x10;
	v21 =	vshll.u32 v21, $0x10;
	v27 =	vld [tilespmem:s9+$0x20];
	v28 =	vmul.f32 v23, v22  }
0x71: {  	v16 =	vmul.f32 v17, v16;
	v22 =	vshll.u32 v22, $0x10;
	v23 =	vshll.u32 v23, $0x10;
	v29 =	vld [tilespmem:s26+$0x30]  }
0x72: {  	v9 =	vshll.u32 v9, $0x10;
	v17 =	vmul.f32 v21, v19;
	v19 =	vmul.f32 v23, v22;
	v30 =	vld [tilespmem:s9+$0x30]  }
0x73: {  	v13 =	vmul.f32 v13, v6;
	v21 =	vadd.f32 $0.0e+00, v8;
	v22 =	vadd.f32 $0.0e+00, v28;
	v31 =	vld [tilespmem:s26+$0x0]  }
0x74: {  	v9 =	vmul.f32 v9, v15;
	v17 =	vadd.f32 $0.0e+00, v17;
	v19 =	vadd.f32 $0.0e+00, v19;
	v6 =	vld [tilespmem:s9+$0x0]  }
0x75: {  	v18 =	vmul.f32 v24, v18;
	v15 =	vadd.f32 v10, v21;
	v21 =	vadd.f32 v14, v22;
	v8 =	vld [tilespmem:s26+$0x10]  }
0x76: {  	v17 =	vadd.f32 v13, v17;
	v9 =	vadd.f32 v9, v19;
	v19 =	vmul.f32 v26, v25;
	v10 =	vld [tilespmem:s9+$0x10]  }
0x77: {  	v5 =	vmul.f32 v7, v5;
	v11 =	vadd.f32 v11, v15;
	v12 =	vadd.f32 v12, v21;
	v14 =	vld [tilespmem:s26+$0xFFFFFFE0];
	v7, _, _ =	vpop (xrf2)  }
0x78: {  	v17 =	vadd.f32 v18, v17;
	v18 =	vadd.f32 v19, v9;
	v13 =	vld [tilespmem:s9+$0xFFFFFFE0];
	v7 =	vbroadcast v7, $0xF  }
0x79: {  	vm0 =	veq.s32 v2, v0;
	v11 =	vadd.f32 v3, v11;
	v4 =	vadd.f32 v4, v12;
	v15 =	vld [tilespmem:s26+$0xFFFFFFF0]  }
0x7a: {  	v12 =	vadd.f32 v16, v17;
	v5 =	vadd.f32 v5, v18;
	v9 =	vld [tilespmem:s9+$0xFFFFFFF0];
	v1 =	vsel vm0, v7, v1  }
.Ltmp4:
0x7b: {  	v2 =	vmov s11;
	s11 =	smov.u32 s6;
	v19 =	vld [tilespmem:s26+$0xFFFFFFC0];
	(pc) =	sbr.rel @p2 .LBB2_4-.Ltmp4, $4  }
0x7c: {  	v3 =	vmul.f32 v27, v20;
	v11 =	vadd.f32 v12, v11;
	v12 =	vadd.f32 v5, v4;
	v21 =	vld [tilespmem:s9+$0xFFFFFFC0]  }
0x7d: {  	v16 =	vshll.u32 v20, $0x10;
	v17 =	vshll.u32 v27, $0x10;
	v4 =	vmul.f32 v30, v29;
	v22 =	vld [tilespmem:s26+$0xFFFFFFD0]  }
0x7e: {  	v7 =	vshll.u32 v30, $0x10;
	v5 =	vshll.u32 v29, $0x10;
	v20 =	vadd.f32 v12, v11;
	v23 =	vld [tilespmem:s9+$0xFFFFFFD0]  }
0x7f: {  	s6 =	sadd.s32 $0x1, s6;
	v18 =	vshll.u32 v31, $0x10;
	v11 =	vmul.f32 v6, v31;
	v12 =	vmul.f32 v10, v8  }
0x80: {  	v6 =	vshll.u32 v6, $0x10;
	v8 =	vshll.u32 v8, $0x10  }
0x81: {  	v10 =	vshll.u32 v10, $0x10;
	v24 =	vshll.u32 v14, $0x10;
	v50 =	vmul.f32 v13, v14  }
0x82: {  	v51 =	vshll.u32 v19, $0x10;
	v26 =	vmul.f32 v9, v15;
	v53 =	vshll.u32 v13, $0x10  }
0x83: {  	v57 =	vshll.u32 v15, $0x10;
	v25 =	vmul.f32 v21, v19;
	v52 =	vshll.u32 v21, $0x10  }
0x84: {  	v19 =	vmul.f32 v52, v51;
	v55 =	vshll.u32 v22, $0x10;
	v56 =	vshll.u32 v23, $0x10  }
0x85: {  	v58 =	vshll.u32 v9, $0x10;
	v54 =	vmul.f32 v23, v22;
	v22 =	vmul.f32 v56, v55  }
0x86: {  	v13 =	vmul.f32 v53, v24;
	v59 =	vadd.f32 $0.0e+00, v25;
	v19 =	vadd.f32 $0.0e+00, v19  }
0x87: {  	v9 =	vmul.f32 v58, v57;
	v21 =	vadd.f32 $0.0e+00, v54;
	v22 =	vadd.f32 $0.0e+00, v22  }
0x88: {  	v6 =	vmul.f32 v6, v18;
	v14 =	vadd.f32 v50, v59;
	v13 =	vadd.f32 v13, v19  }
0x89: {  	v8 =	vmul.f32 v10, v8;
	v60 =	vadd.f32 v26, v21;
	v9 =	vadd.f32 v9, v22  }
0x8a: {  	v61 =	vmul.f32 v17, v16;
	v11 =	vadd.f32 v11, v14;
	v6 =	vadd.f32 v6, v13  }
0x8b: {  	v5 =	vmul.f32 v7, v5;
	v12 =	vadd.f32 v12, v60;
	v62 =	vadd.f32 v8, v9  }
0x8c: {  	v3 =	vadd.f32 v3, v11;
	v6 =	vadd.f32 v61, v6  }
0x8d: {  	v4 =	vadd.f32 v4, v12;
	v5 =	vadd.f32 v5, v62;
	_ =	sdelay $0x1  }
0x8e: {  	v3 =	vadd.f32 v6, v3;
	v4 =	vadd.f32 v5, v4;
	_ =	sdelay $0x1  }
0x8f: {  	v3 =	vadd.f32 v4, v3  }
0x90: {  	(xrf2) =	vadd.scan.msk.f32 $0xffff, v20  }
0x91: {  	(xrf2) =	vadd.scan.msk.f32 $0xffff, v3;
	_ =	sdelay $0x7  }
0x92: {  	s25 =	sadd.s32 $0x1, s25  }
0x93: {  	p2 =	sne.s32 s25, $0x4;
	v3, _, _ =	vpop (xrf2)  }
.Ltmp5:
0x94: {  	v3 =	vbroadcast v3, $0xF;
	v63, _, _ =	vpop (xrf2);
	(pc) =	sbr.rel @p2 .LBB2_3-.Ltmp5, $4  }
0x95: {  	vm0 =	veq.s32 v2, v0;
	v2 =	vmov s11;
	v4 =	vbroadcast v63, $0xF  }
0x96: {  	vm15 =	veq.s32 v2, v0;
	v1 =	vsel vm0, v3, v1  }
0x97: {  	v1 =	vsel vm15, v4, v1  }
0x98: {  	s23 =	sadd.s32 $0x800, s23;
	s24 =	sadd.s32 $0x800, s24;
	[tilespmem:s28+$0x1DF90] =	vst v1  }
0x99: {  	s21 =	sshll.u32 s20, $0x7;
	p2 =	seq.s32 s20, $0x27  }
.Ltmp6:
0x9a: {  	s6 =	smin.u32 s21, $0x1348;
	(pc) =	sbr.rel @p2 .LBB2_14-.Ltmp6, $4  }
0x9b: {  	s6 =	sadd.s32 s4, s6  }
0x9c: {  	s6 =	sshrl.u32 s6, $0x3  }
0x9d: {  	s6 =	sadd.s32 s2, s6  }
0x9e: {  	[hbm4b:s6+s5] =	stream.linear.scatter [tilespmem:s30], [sflag:$0x3], $0x40, $0x38;
	[tilespmem:$0x1E010] =	vst v63  }
0x9f: {  	s6 =	smin.u32 s21, $0x12C8  }
0xa0: {  	s22 =	sor.u32 $0x1, s22;
	s7 =	sadd.s32 $0x13900, s6  }
0xa1: {  	[tilespmem:s14], [sflag:$0x1] =	stream.indirect.gather [spmem:s3], $0x80, s7, s13, $0xb8;
	[tilespmem:$0x1E010] =	vst v63  }
0xa2: {  	s26 =	sadd.s32 $0x13920, s6;
	p2 =	sgt.u32 s22, $0x4E  }
0xa3: {  	[tilespmem:s16], [sflag:$0x1] =	stream.indirect.gather [spmem:s3], $0x80, s26, s13, $0xb8;
	[tilespmem:$0x1E010] =	vst v63  }
.Ltmp7:
0xa4: {  	_ = 	snop;
	(pc) =	sbr.rel @p2 .LBB2_13-.Ltmp7, $4  }
0xa5: {  	s28 =	sadd.s32 $0x14C88, s6  }
0xa6: {  	[tilespmem:s17], [sflag:$0x1] =	stream.indirect.gather [spmem:s3], $0x80, s28, s13, $0xb8;
	[tilespmem:$0x1E010] =	vst v63  }
0xa7: {  	s6 =	sadd.s32 $0x14CA8, s6  }
0xa8: {  	[tilespmem:s19], [sflag:$0x1] =	stream.indirect.gather [spmem:s3], $0x80, s6, s13, $0xb8;
	[tilespmem:$0x1E010] =	vst v63  }
0xa9: {  	_ =	swait.ge [sflag:s0], $0x2000  }
0xaa: {  	[sflag:s0] =	ssyncset.done $0x0  }
0xab: {  	[sflag:s0] =	ssyncadd.s32 $0xFFFFE000  }
0xac: {  	_ =	swait.ge [sflag:s0], $0x2000  }
0xad: {  	[sflag:s0] =	ssyncset.done $0x0  }
0xae: {  	s6 =	simm.s32 @!p1 $0x4;
	[sflag:s0] =	ssyncadd.s32 $0xFFFFE000  }
0xaf: {  	_ =	swait.ge @!p1 [sflag:s6], $0x40  }
0xb0: {  	s23 =	simm.s32 $0x0;
	s24 =	simm.s32 $0x17FD0;
	[sflag:s6] =	ssyncset.done @!p1 $0x0  }
0xb1: {  	s25 =	simm.s32 $0x1BFD0;
	s26 =	simm.s32 $0x0;
	[sflag:s6] =	ssyncadd.s32 @!p1 $0xFFFFFFC0  }
.LBB2_9:
0xb2: {  	v1 =	vld [tilespmem:s24+$0x20]  }
0xb3: {  	v2 =	vld [tilespmem:s25+$0x20]  }
0xb4: {  	v3 =	vld [tilespmem:s24+$0x30]  }
0xb5: {  	v4 =	vld [tilespmem:s25+$0x30]  }
0xb6: {  	v5 =	vld [tilespmem:s24+$0x0]  }
0xb7: {  	v6 =	vld [tilespmem:s25+$0x0]  }
0xb8: {  	v7 =	vld [tilespmem:s24+$0x10]  }
0xb9: {  	v8 =	vld [tilespmem:s25+$0x10]  }
0xba: {  	v9 =	vld [tilespmem:s24+$0xFFFFFFE0]  }
0xbb: {  	v10 =	vld [tilespmem:s25+$0xFFFFFFE0]  }
0xbc: {  	v11 =	vld [tilespmem:s24+$0xFFFFFFF0]  }
0xbd: {  	v12 =	vld [tilespmem:s25+$0xFFFFFFF0]  }
0xbe: {  	v13 =	vld [tilespmem:s24+$0xFFFFFFC0]  }
0xbf: {  	v14 =	vld [tilespmem:s25+$0xFFFFFFC0];
	v15 =	vmul.f32 v2, v1;
	v1 =	vshll.u32 v1, $0x10  }
0xc0: {  	v16 =	vld [tilespmem:s24+$0xFFFFFFD0];
	v2 =	vshll.u32 v2, $0x10;
	v17 =	vmul.f32 v4, v3;
	v3 =	vshll.u32 v3, $0x10  }
0xc1: {  	v18 =	vld [tilespmem:s25+$0xFFFFFFD0];
	v4 =	vshll.u32 v4, $0x10;
	v19 =	vshll.u32 v5, $0x10;
	v5 =	vmul.f32 v6, v5  }
0xc2: {  	v20 =	vmul.f32 v8, v7;
	v21 =	vshll.u32 v6, $0x10;
	v7 =	vshll.u32 v7, $0x10  }
0xc3: {  	s28 =	sadd.s32 $0x80, s24;
	v22 =	vshll.u32 v8, $0x10;
	v6 =	vshll.u32 v9, $0x10;
	v8 =	vmul.f32 v10, v9  }
0xc4: {  	s11 =	sadd.s32 $0x80, s25;
	v24 =	vld [tilespmem:s28+$0x20];
	v9 =	vmul.f32 v12, v11;
	v23 =	vmul.f32 v14, v13;
	v10 =	vshll.u32 v10, $0x10  }
0xc5: {  	v25 =	vld [tilespmem:s11+$0x20];
	v11 =	vshll.u32 v11, $0x10;
	v13 =	vshll.u32 v13, $0x10;
	v14 =	vshll.u32 v14, $0x10  }
0xc6: {  	v27 =	vld [tilespmem:s28+$0x30];
	v26 =	vmul.f32 v18, v16;
	v16 =	vshll.u32 v16, $0x10;
	v18 =	vshll.u32 v18, $0x10  }
0xc7: {  	v63 =	vld [tilespmem:s28+$0x0];
	v12 =	vshll.u32 v12, $0x10;
	v13 =	vmul.f32 v14, v13;
	v14 =	vmul.f32 v18, v16  }
0xc8: {  	v18 =	vld [tilespmem:s11+$0x30];
	v10 =	vmul.f32 v10, v6;
	v16 =	vadd.f32 $0.0e+00, v23;
	v23 =	vadd.f32 $0.0e+00, v26  }
0xc9: {  	v11 =	vmul.f32 v12, v11;
	v6 =	vld [tilespmem:s11+$0x0];
	v13 =	vadd.f32 $0.0e+00, v13;
	v14 =	vadd.f32 $0.0e+00, v14  }
0xca: {  	v7 =	vmul.f32 v22, v7;
	v22 =	vld [tilespmem:s28+$0xFFFFFFD0];
	v12 =	vadd.f32 v8, v16;
	v9 =	vadd.f32 v9, v23  }
0xcb: {  	v16 =	vmul.f32 v21, v19;
	v8 =	vld [tilespmem:s28+$0x10];
	v13 =	vadd.f32 v10, v13;
	v11 =	vadd.f32 v11, v14  }
0xcc: {  	v1 =	vmul.f32 v2, v1;
	v19 =	vld [tilespmem:s28+$0xFFFFFFC0];
	v2 =	vadd.f32 v5, v12;
	v5 =	vadd.f32 v20, v9  }
0xcd: {  	v3 =	vmul.f32 v4, v3;
	v10 =	vld [tilespmem:s11+$0x10];
	v4 =	vadd.f32 v16, v13;
	v7 =	vadd.f32 v7, v11  }
0xce: {  	v14 =	vld [tilespmem:s28+$0xFFFFFFE0];
	v11 =	vadd.f32 v15, v2;
	v5 =	vadd.f32 v17, v5  }
0xcf: {  	v9 =	vld [tilespmem:s11+$0xFFFFFFF0];
	v4 =	vadd.f32 v1, v4;
	v7 =	vadd.f32 v3, v7  }
0xd0: {  	v13 =	vld [tilespmem:s11+$0xFFFFFFE0];
	v16 =	vshll.u32 v24, $0x10;
	v2 =	vmov s23  }
0xd1: {  	v15 =	vld [tilespmem:s28+$0xFFFFFFF0];
	v17 =	vshll.u32 v25, $0x10;
	v11 =	vadd.f32 v4, v11;
	v12 =	vadd.f32 v7, v5  }
0xd2: {  	v21 =	vld [tilespmem:s11+$0xFFFFFFC0];
	v1 =	vimm.f32 $0.0e+00;
	v3 =	vmul.f32 v25, v24;
	v4 =	vmul.f32 v18, v27  }
0xd3: {  	v23 =	vld [tilespmem:s11+$0xFFFFFFD0];
	v5 =	vshll.u32 v27, $0x10;
	v7 =	vshll.u32 v18, $0x10;
	v20 =	vadd.f32 v12, v11  }
0xd4: {  	s9 =	sshll.u32 s26, $0x4;
	s6 =	simm.s32 $0x1;
	s7 =	simm.s32 $0x2;
	v18 =	vshll.u32 v63, $0x10;
	v11 =	vmul.f32 v6, v63;
	v12 =	vmul.f32 v10, v8  }
.LBB2_10:
0xd5: {  	p1 =	sne.s32 s7, $0xF;
	v24 =	vshll.u32 v6, $0x10;
	v25 =	vshll.u32 v8, $0x10;
	v26 =	vshll.u32 v10, $0x10;
	(xrf2) =	vadd.scan.msk.f32 $0xffff, v20  }
0xd6: {  	v6 =	vshll.u32 v14, $0x10;
	v10 =	vmul.f32 v13, v14;
	v14 =	vmul.f32 v9, v15;
	s28 =	sadd.s32 $0x80, s28  }
0xd7: {  	v13 =	vshll.u32 v13, $0x10;
	v15 =	vshll.u32 v15, $0x10;
	s11 =	sadd.s32 $0x80, s11;
	v8 =	vmul.f32 v21, v19;
	v20 =	vld [tilespmem:s28+$0x20]  }
0xd8: {  	v19 =	vshll.u32 v19, $0x10;
	v21 =	vshll.u32 v21, $0x10;
	v27 =	vld [tilespmem:s11+$0x20];
	v28 =	vmul.f32 v23, v22  }
0xd9: {  	v16 =	vmul.f32 v17, v16;
	v22 =	vshll.u32 v22, $0x10;
	v23 =	vshll.u32 v23, $0x10;
	v29 =	vld [tilespmem:s28+$0x30]  }
0xda: {  	v9 =	vshll.u32 v9, $0x10;
	v17 =	vmul.f32 v21, v19;
	v19 =	vmul.f32 v23, v22;
	v30 =	vld [tilespmem:s11+$0x30]  }
0xdb: {  	v13 =	vmul.f32 v13, v6;
	v21 =	vadd.f32 $0.0e+00, v8;
	v22 =	vadd.f32 $0.0e+00, v28;
	v31 =	vld [tilespmem:s28+$0x0]  }
0xdc: {  	v9 =	vmul.f32 v9, v15;
	v17 =	vadd.f32 $0.0e+00, v17;
	v19 =	vadd.f32 $0.0e+00, v19;
	v6 =	vld [tilespmem:s11+$0x0]  }
0xdd: {  	v18 =	vmul.f32 v24, v18;
	v15 =	vadd.f32 v10, v21;
	v21 =	vadd.f32 v14, v22;
	v8 =	vld [tilespmem:s28+$0x10]  }
0xde: {  	v17 =	vadd.f32 v13, v17;
	v9 =	vadd.f32 v9, v19;
	v19 =	vmul.f32 v26, v25;
	v10 =	vld [tilespmem:s11+$0x10]  }
0xdf: {  	v5 =	vmul.f32 v7, v5;
	v11 =	vadd.f32 v11, v15;
	v12 =	vadd.f32 v12, v21;
	v14 =	vld [tilespmem:s28+$0xFFFFFFE0];
	v7, _, _ =	vpop (xrf2)  }
0xe0: {  	v17 =	vadd.f32 v18, v17;
	v18 =	vadd.f32 v19, v9;
	v13 =	vld [tilespmem:s11+$0xFFFFFFE0];
	v7 =	vbroadcast v7, $0xF  }
0xe1: {  	vm0 =	veq.s32 v2, v0;
	v11 =	vadd.f32 v3, v11;
	v4 =	vadd.f32 v4, v12;
	v15 =	vld [tilespmem:s28+$0xFFFFFFF0]  }
0xe2: {  	v12 =	vadd.f32 v16, v17;
	v5 =	vadd.f32 v5, v18;
	v9 =	vld [tilespmem:s11+$0xFFFFFFF0];
	v1 =	vsel vm0, v7, v1  }
.Ltmp8:
0xe3: {  	v2 =	vmov s6;
	s6 =	smov.u32 s7;
	v19 =	vld [tilespmem:s28+$0xFFFFFFC0];
	(pc) =	sbr.rel @p1 .LBB2_10-.Ltmp8, $4  }
0xe4: {  	v3 =	vmul.f32 v27, v20;
	v11 =	vadd.f32 v12, v11;
	v12 =	vadd.f32 v5, v4;
	v21 =	vld [tilespmem:s11+$0xFFFFFFC0]  }
0xe5: {  	v16 =	vshll.u32 v20, $0x10;
	v17 =	vshll.u32 v27, $0x10;
	v4 =	vmul.f32 v30, v29;
	v22 =	vld [tilespmem:s28+$0xFFFFFFD0]  }
0xe6: {  	v7 =	vshll.u32 v30, $0x10;
	v5 =	vshll.u32 v29, $0x10;
	v20 =	vadd.f32 v12, v11;
	v23 =	vld [tilespmem:s11+$0xFFFFFFD0]  }
0xe7: {  	s7 =	sadd.s32 $0x1, s7;
	v18 =	vshll.u32 v31, $0x10;
	v11 =	vmul.f32 v6, v31;
	v12 =	vmul.f32 v10, v8  }
0xe8: {  	v6 =	vshll.u32 v6, $0x10;
	v8 =	vshll.u32 v8, $0x10  }
0xe9: {  	v10 =	vshll.u32 v10, $0x10;
	v24 =	vshll.u32 v14, $0x10;
	v50 =	vmul.f32 v13, v14  }
0xea: {  	v51 =	vshll.u32 v19, $0x10;
	v26 =	vmul.f32 v9, v15;
	v53 =	vshll.u32 v13, $0x10  }
0xeb: {  	v57 =	vshll.u32 v15, $0x10;
	v25 =	vmul.f32 v21, v19;
	v52 =	vshll.u32 v21, $0x10  }
0xec: {  	v19 =	vmul.f32 v52, v51;
	v55 =	vshll.u32 v22, $0x10;
	v56 =	vshll.u32 v23, $0x10  }
0xed: {  	v58 =	vshll.u32 v9, $0x10;
	v54 =	vmul.f32 v23, v22;
	v22 =	vmul.f32 v56, v55  }
0xee: {  	v13 =	vmul.f32 v53, v24;
	v59 =	vadd.f32 $0.0e+00, v25;
	v19 =	vadd.f32 $0.0e+00, v19  }
0xef: {  	v9 =	vmul.f32 v58, v57;
	v21 =	vadd.f32 $0.0e+00, v54;
	v22 =	vadd.f32 $0.0e+00, v22  }
0xf0: {  	v6 =	vmul.f32 v6, v18;
	v14 =	vadd.f32 v50, v59;
	v13 =	vadd.f32 v13, v19  }
0xf1: {  	v8 =	vmul.f32 v10, v8;
	v60 =	vadd.f32 v26, v21;
	v9 =	vadd.f32 v9, v22  }
0xf2: {  	v61 =	vmul.f32 v17, v16;
	v11 =	vadd.f32 v11, v14;
	v6 =	vadd.f32 v6, v13  }
0xf3: {  	v5 =	vmul.f32 v7, v5;
	v12 =	vadd.f32 v12, v60;
	v62 =	vadd.f32 v8, v9  }
0xf4: {  	v3 =	vadd.f32 v3, v11;
	v6 =	vadd.f32 v61, v6  }
0xf5: {  	v4 =	vadd.f32 v4, v12;
	v5 =	vadd.f32 v5, v62;
	_ =	sdelay $0x1  }
0xf6: {  	v3 =	vadd.f32 v6, v3;
	v4 =	vadd.f32 v5, v4;
	_ =	sdelay $0x1  }
0xf7: {  	v3 =	vadd.f32 v4, v3  }
0xf8: {  	(xrf2) =	vadd.scan.msk.f32 $0xffff, v20  }
0xf9: {  	(xrf2) =	vadd.scan.msk.f32 $0xffff, v3;
	_ =	sdelay $0x7  }
0xfa: {  	s26 =	sadd.s32 $0x1, s26  }
0xfb: {  	p1 =	sne.s32 s26, $0x4;
	v3, _, _ =	vpop (xrf2)  }
.Ltmp9:
0xfc: {  	v3 =	vbroadcast v3, $0xF;
	v63, _, _ =	vpop (xrf2);
	(pc) =	sbr.rel @p1 .LBB2_9-.Ltmp9, $4  }
0xfd: {  	vm0 =	veq.s32 v2, v0;
	v2 =	vmov s6;
	v4 =	vbroadcast v63, $0xF  }
0xfe: {  	vm15 =	veq.s32 v2, v0;
	v1 =	vsel vm0, v3, v1  }
0xff: {  	v1 =	vsel vm15, v4, v1  }
0x100: {  	s24 =	sadd.s32 $0x800, s24;
	s25 =	sadd.s32 $0x800, s25;
	[tilespmem:s9+$0x1DFD0] =	vst v1  }
0x101: {  	s6 =	sshll.u32 s22, $0x6  }
.Ltmp10:
0x102: {  	s6 =	smin.u32 s6, $0x1348;
	(pc) =	sbr.rel .LBB2_13-.Ltmp10, $4  }
0x103: {  	s6 =	sadd.s32 s4, s6  }
0x104: {  	s6 =	sshrl.u32 s6, $0x3  }
0x105: {  	s6 =	sadd.s32 s2, s6  }
0x106: {  	[hbm4b:s6+s5] =	stream.linear.scatter [tilespmem:s15], [sflag:$0x4], $0x40, $0x38;
	[tilespmem:$0x1E010] =	vst v63  }
.LBB2_15:
0x107: {  	_ =	sfence.sel $0x180000  }
0x108: {  	[bflag:$0x0] =	sbarrier.arrive $0xFFFF  }
0x109: {  	_ =	strace $0x90000047  }
0x10a: {  	[bflag:$0x2] =	sbarrier.arrive $0xFFFF  }
0x10b: {  	s0 =	rddreg [dreg:$0x3]  }
0x10c: {  	s0 =	sadd.s32 @!p0 $0x100000, s0  }
0x10d: {  	[sflag:s0] =	ssyncadd.tile.s32 @!p0 $0x1;
	_ =	shalt  }
.Lfunc_end2:
_tile_overlayer_lowered:
.L_overlay_start_2:
0x10e: {  	(tag) =	ssettag $0x2  }
0x10f: {  	s0 =	rddreg [dreg:$0x0];
	s2 =	stileid.u32  }
0x110: {  	s1 =	rddreg [dreg:$0x1];
	p0 =	sne.s32 s2, $0x0  }
0x111: {  	s3 =	rddreg [dreg:$0x2];
	[bflag:$0x3] =	sbarrier.arrive $0xFFFF;
	s2 =	simm.s32 @!p0 $0x1C05  }
0x112: {  	[timem:s3], [sflag:s2] =	dma.local @!p0 [hbm:s0], s1  }
0x113: {  	s0 =	simm.s32 @!p0 $0x5  }
0x114: {  	_ =	swait.ge @!p0 [sflag:s0], s1  }
0x115: {  	s1 =	ssub.s32 @!p0 $0x0, s1;
	[sflag:s0] =	ssyncset.done @!p0 $0x0  }
0x116: {  	[sflag:s0] =	ssyncadd.s32 @!p0 s1  }
0x117: {  	[bflag:$0x3] =	sbarrier.arrive $0xFFFF  }
0x118: {  	_ =	shalt  }

</sc_bundles>
